<compile_context>
chip_gen: v7x
topology: tpu7x:2x2x1
jax: 0.10.2.dev20260603
libtpu: 0.0.44.dev20260713+nightly
codegen_flags: <defaults>
</compile_context>

<pallas_src>
import functools

import jax
import jax.numpy as jnp
from jax import lax
from jax.experimental import pallas as pl
from jax.experimental.pallas import tpu as pltpu
from jax.experimental.pallas import tpu_sc as plsc

_B = 4096
_HIST = 200
_D = 128
_H = 64
_O = 2
_L = 16
_NC = 2
_NS = 16
_NW = _NC * _NS
_BPW = _B // _NW
_C0 = 104
_C1 = _HIST - _C0
_UNROLL = 4

_mesh = plsc.VectorSubcoreMesh(core_axis_name="c", subcore_axis_name="s")


@functools.partial(
    pl.kernel,
    mesh=_mesh,
    out_type=jax.ShapeDtypeStruct((_B, _D), jnp.float32),
    scratch_types=[
        pltpu.VMEM((_BPW * _HIST,), jnp.int32),
        pltpu.VMEM((_HIST, _D), jnp.float32),
        pltpu.VMEM((_HIST, _D), jnp.float32),
        pltpu.VMEM((_HIST, _D), jnp.float32),
        pltpu.VMEM((_BPW, _D), jnp.float32),
        pltpu.SemaphoreType.DMA,
        pltpu.SemaphoreType.DMA,
        pltpu.SemaphoreType.DMA,
    ],
)
def _pool_sum(x_hbm, emb_hbm, out_hbm, idx_v, buf0, buf1, buf2, outb,
              sem0, sem1, sem2):
    wid = lax.axis_index("s") * _NC + lax.axis_index("c")
    base = pl.multiple_of(wid * _BPW, _BPW)
    pltpu.sync_copy(x_hbm.at[pl.ds(base * _HIST, _BPW * _HIST)], idx_v)

    bufs = (buf0, buf1, buf2)
    sems = (sem0, sem1, sem2)

    def copies(b, k):
        off = pl.multiple_of(b * _HIST, 8)
        off1 = pl.multiple_of(b * _HIST + _C0, 8)
        return (
            pltpu.make_async_copy(
                emb_hbm.at[idx_v.at[pl.ds(off, _C0)]],
                bufs[k].at[pl.ds(0, _C0)],
                sems[k],
            ),
            pltpu.make_async_copy(
                emb_hbm.at[idx_v.at[pl.ds(off1, _C1)]],
                bufs[k].at[pl.ds(_C0, _C1)],
                sems[k],
            ),
        )

    def start_gather(b, k):
        for cp in copies(b, k):
            cp.start()

    def wait_gather(b, k):
        for cp in copies(b, k):
            cp.wait()

    def process(b, k):
        wait_gather(b, k)
        buf = bufs[k]

        def acc_body(j4, acc):
            j = j4 * _UNROLL
            for u in range(_UNROLL):
                acc = tuple(
                    acc[i] + buf[j + u, pl.ds(i * _L, _L)]
                    for i in range(_D // _L)
                )
            return acc

        zeros = tuple(jnp.zeros((_L,), jnp.float32) for _ in range(_D // _L))
        acc = lax.fori_loop(0, _HIST // _UNROLL, acc_body, zeros)
        for i in range(_D // _L):
            outb[b, pl.ds(i * _L, _L)] = acc[i]

    start_gather(0, 0)
    start_gather(1, 1)

    def body(b3, carry_unused):
        for k in range(3):
            b = b3 * 3 + k
            start_gather(b + 2, (k + 2) % 3)
            process(b, k)
        return carry_unused

    _MAIN = (_BPW - 2) // 3
    lax.fori_loop(0, _MAIN, body, 0)
    process(_BPW - 2, (_BPW - 2) % 3)
    process(_BPW - 1, (_BPW - 1) % 3)
    pltpu.sync_copy(outb, out_hbm.at[pl.ds(base, _BPW)])


def _mlp_body(pooled_ref, w1_ref, b1_ref, w2_ref, b2_ref, out_ref):
    pooled = pooled_ref[...] * (1.0 / _HIST)
    h = lax.dot_general(
        pooled, w1_ref[...], (((1,), (1,)), ((), ())),
        preferred_element_type=jnp.float32,
    ) + b1_ref[...]
    h = jnp.maximum(h, 0.0)
    out_ref[...] = lax.dot_general(
        h, w2_ref[...], (((1,), (1,)), ((), ())),
        preferred_element_type=jnp.float32,
    ) + b2_ref[...]


def kernel(x, emb, W1, b1, W2, b2):
    pooled_sum = _pool_sum(x.reshape(-1), emb)
    return pl.pallas_call(
        _mlp_body,
        out_shape=jax.ShapeDtypeStruct((_B, _O), jnp.float32),
    )(pooled_sum, W1, b1.reshape(1, _H), W2, b2.reshape(1, _O))

# --- scband reference (transcript-rebuilt; emitter-appended) ---
"""Pipeline reference for scband-simple-sprmodel-90417651515651 (READ-ONLY COPY).

The authoritative reference and input builder live on the scoring server;
editing this copy changes nothing except your own understanding.
"""

import jax, jax.numpy as jnp
import numpy as np

VOCAB = 1000000
EMBED_DIM = 128
HIDDEN_DIM = 64
BATCH = 4096
HIST = 200

def setup_inputs(seed: int = 0) -> dict:
    key = jax.random.key(seed)
    k_x, k_emb, k_w1, k_b1, k_w2, k_b2 = jax.random.split(key, 6)
    x = jax.random.randint(k_x, (BATCH, HIST), 0, VOCAB, dtype=jnp.int64 if jax.config.jax_enable_x64 else jnp.int32).astype(jnp.int32)
    emb = jax.random.normal(k_emb, (VOCAB, EMBED_DIM), dtype=jnp.float32)
    # torch Linear default init: U(-1/sqrt(fan_in), 1/sqrt(fan_in))
    lim1 = 1.0 / np.sqrt(EMBED_DIM)
    W1 = jax.random.uniform(k_w1, (HIDDEN_DIM, EMBED_DIM), minval=-lim1, maxval=lim1, dtype=jnp.float32)
    b1 = jax.random.uniform(k_b1, (HIDDEN_DIM,), minval=-lim1, maxval=lim1, dtype=jnp.float32)
    lim2 = 1.0 / np.sqrt(HIDDEN_DIM)
    W2 = jax.random.uniform(k_w2, (2, HIDDEN_DIM), minval=-lim2, maxval=lim2, dtype=jnp.float32)
    b2 = jax.random.uniform(k_b2, (2,), minval=-lim2, maxval=lim2, dtype=jnp.float32)
    return {"x": x, "emb": emb, "W1": W1, "b1": b1, "W2": W2, "b2": b2}

def reference(x, emb, W1, b1, W2, b2):
    # embedding lookup (SparseCore gather)
    e = jnp.take(emb, x, axis=0)            # [B, L, D]
    pooled = e.mean(axis=1)                  # [B, D]
    h = jax.nn.relu(pooled @ W1.T + b1)      # [B, H]
    # dropout is identity in eval mode
    logits = h @ W2.T + b2                   # [B, 2]
    return logits

if __name__ == "__main__":
    import jax
    _d = setup_inputs()
    print(jax.jit(kernel)(*tuple(_d.values())))

</pallas_src>

<mosaic_0001>
#map = affine_map<(d0, d1) -> (0)>
#map1 = affine_map<(d0, d1) -> (0, 0)>
module attributes {stable_mosaic.version = 14 : i64} {
  func.func @_pool_sum(%arg0: i32, %arg1: i32, %arg2: memref<819200xi32, #tpu.memory_space<hbm>>, %arg3: memref<1000000x128xf32, #tpu.memory_space<hbm>>, %arg4: memref<4096x128xf32, #tpu.memory_space<hbm>>, %arg5: memref<25600xi32, #tpu.memory_space<vmem>>, %arg6: memref<200x128xf32, #tpu.memory_space<vmem>>, %arg7: memref<200x128xf32, #tpu.memory_space<vmem>>, %arg8: memref<200x128xf32, #tpu.memory_space<vmem>>, %arg9: memref<128x128xf32, #tpu.memory_space<vmem>>, %arg10: memref<!tpu.dma_semaphore, #tpu.memory_space<semaphore_mem>>, %arg11: memref<!tpu.dma_semaphore, #tpu.memory_space<semaphore_mem>>, %arg12: memref<!tpu.dma_semaphore, #tpu.memory_space<semaphore_mem>>) attributes {dimension_semantics = [#tpu.dimension_semantics<core_parallel>, #tpu.dimension_semantics<subcore_parallel>], iteration_bounds = array<i64: 2, 16>, scalar_prefetch = 0 : i64, scratch_operands = 8 : i64, tpu.core_type = #tpu.core_type<sc_vector_subcore>, window_params = [{transform_indices = #map}, {transform_indices = #map1}, {transform_indices = #map1}]} {
    %mul3A = arith.constant 2 : i32
    %mul3A_0 = arith.muli %arg1, %mul3A : i32
    %add3A = arith.addi %mul3A_0, %arg0 : i32
    %mul3A_1 = arith.constant 128 : i32
    %mul3A_2 = arith.muli %add3A, %mul3A_1 : i32
    %multiple_of3A = tpu.assume_multiple %mul3A_2, 128 : i32
    %mul3A_3 = arith.constant 200 : i32
    %mul3A_4 = arith.muli %multiple_of3A, %mul3A_3 : i32
    "tpu.region"() ({
      %run_scoped3A = tpu.sem_alloc : memref<!tpu.dma_semaphore, #tpu.memory_space<semaphore_mem>>
      %dma_start3A_218 = tpu.memref_slice %arg2[%mul3A_4] : memref<819200xi32, #tpu.memory_space<hbm>> -> memref<25600xi32, #tpu.memory_space<hbm>>
      %dma_start3A_219 = tpu.memref_slice %arg2[%mul3A_4] : memref<819200xi32, #tpu.memory_space<hbm>> -> memref<25600xi32, #tpu.memory_space<hbm>>
      tpu.enqueue_dma source(%dma_start3A_219 : memref<25600xi32, #tpu.memory_space<hbm>>) target(%arg5 : memref<25600xi32, #tpu.memory_space<vmem>>) target_semaphore(%run_scoped3A : memref<!tpu.dma_semaphore, #tpu.memory_space<semaphore_mem>>)
      %dma_wait3A_220 = tpu.memref_slice %arg2[%mul3A_4] : memref<819200xi32, #tpu.memory_space<hbm>> -> memref<25600xi32, #tpu.memory_space<hbm>>
      %dma_wait3A_221 = tpu.memref_slice %arg2[%mul3A_4] : memref<819200xi32, #tpu.memory_space<hbm>> -> memref<25600xi32, #tpu.memory_space<hbm>>
      tpu.wait_dma2 semaphore(%run_scoped3A : memref<!tpu.dma_semaphore, #tpu.memory_space<semaphore_mem>>) src(%dma_wait3A_221 : memref<25600xi32, #tpu.memory_space<hbm>>) dst(%arg5 : memref<25600xi32, #tpu.memory_space<vmem>>)
      tpu.yield
    }) : () -> ()
    %multiple_of3A_5 = arith.constant 0 : i32
    %multiple_of3A_6 = tpu.assume_multiple %multiple_of3A_5, 8 : i32
    %multiple_of3A_7 = arith.constant 104 : i32
    %multiple_of3A_8 = tpu.assume_multiple %multiple_of3A_7, 8 : i32
    %dma_start3A = arith.constant 0 : i32
    %dma_start3A_9 = arith.constant 0 : i32
    %dma_start3A_10 = tpu.memref_slice %arg6[%dma_start3A, %dma_start3A_9] : memref<200x128xf32, #tpu.memory_space<vmem>> -> memref<104x128xf32, #tpu.memory_space<vmem>>
    %dma_start3A_11 = tpu.memref_slice %arg5[%multiple_of3A_6] : memref<25600xi32, #tpu.memory_space<vmem>> -> memref<104xi32, #tpu.memory_space<vmem>>
    %dma_start3A_12 = arith.constant 0 : i32
    %dma_start3A_13 = arith.constant 0 : i32
    %dma_start3A_14 = tpu.memref_slice %arg3[%dma_start3A_12, %dma_start3A_13] : memref<1000000x128xf32, #tpu.memory_space<hbm>> -> memref<1000000x128xf32, #tpu.memory_space<hbm>>
    tpu.enqueue_indirect_dma source(%dma_start3A_14 : memref<1000000x128xf32, #tpu.memory_space<hbm>>) target(%dma_start3A_10 : memref<104x128xf32, #tpu.memory_space<vmem>>) offsets(%dma_start3A_11 : memref<104xi32, #tpu.memory_space<vmem>>) semaphore(%arg10 : memref<!tpu.dma_semaphore, #tpu.memory_space<semaphore_mem>>)
    %dma_start3A_15 = arith.constant 104 : i32
    %dma_start3A_16 = arith.constant 0 : i32
    %dma_start3A_17 = tpu.memref_slice %arg6[%dma_start3A_15, %dma_start3A_16] : memref<200x128xf32, #tpu.memory_space<vmem>> -> memref<96x128xf32, #tpu.memory_space<vmem>>
    %dma_start3A_18 = tpu.memref_slice %arg5[%multiple_of3A_8] : memref<25600xi32, #tpu.memory_space<vmem>> -> memref<96xi32, #tpu.memory_space<vmem>>
    %dma_start3A_19 = arith.constant 0 : i32
    %dma_start3A_20 = arith.constant 0 : i32
    %dma_start3A_21 = tpu.memref_slice %arg3[%dma_start3A_19, %dma_start3A_20] : memref<1000000x128xf32, #tpu.memory_space<hbm>> -> memref<1000000x128xf32, #tpu.memory_space<hbm>>
    tpu.enqueue_indirect_dma source(%dma_start3A_21 : memref<1000000x128xf32, #tpu.memory_space<hbm>>) target(%dma_start3A_17 : memref<96x128xf32, #tpu.memory_space<vmem>>) offsets(%dma_start3A_18 : memref<96xi32, #tpu.memory_space<vmem>>) semaphore(%arg10 : memref<!tpu.dma_semaphore, #tpu.memory_space<semaphore_mem>>)
    %multiple_of3A_22 = arith.constant 200 : i32
    %multiple_of3A_23 = tpu.assume_multiple %multiple_of3A_22, 8 : i32
    %multiple_of3A_24 = arith.constant 304 : i32
    %multiple_of3A_25 = tpu.assume_multiple %multiple_of3A_24, 8 : i32
    %dma_start3A_26 = arith.constant 0 : i32
    %dma_start3A_27 = arith.constant 0 : i32
    %dma_start3A_28 = tpu.memref_slice %arg7[%dma_start3A_26, %dma_start3A_27] : memref<200x128xf32, #tpu.memory_space<vmem>> -> memref<104x128xf32, #tpu.memory_space<vmem>>
    %dma_start3A_29 = tpu.memref_slice %arg5[%multiple_of3A_23] : memref<25600xi32, #tpu.memory_space<vmem>> -> memref<104xi32, #tpu.memory_space<vmem>>
    %dma_start3A_30 = arith.constant 0 : i32
    %dma_start3A_31 = arith.constant 0 : i32
    %dma_start3A_32 = tpu.memref_slice %arg3[%dma_start3A_30, %dma_start3A_31] : memref<1000000x128xf32, #tpu.memory_space<hbm>> -> memref<1000000x128xf32, #tpu.memory_space<hbm>>
    tpu.enqueue_indirect_dma source(%dma_start3A_32 : memref<1000000x128xf32, #tpu.memory_space<hbm>>) target(%dma_start3A_28 : memref<104x128xf32, #tpu.memory_space<vmem>>) offsets(%dma_start3A_29 : memref<104xi32, #tpu.memory_space<vmem>>) semaphore(%arg11 : memref<!tpu.dma_semaphore, #tpu.memory_space<semaphore_mem>>)
    %dma_start3A_33 = arith.constant 104 : i32
    %dma_start3A_34 = arith.constant 0 : i32
    %dma_start3A_35 = tpu.memref_slice %arg7[%dma_start3A_33, %dma_start3A_34] : memref<200x128xf32, #tpu.memory_space<vmem>> -> memref<96x128xf32, #tpu.memory_space<vmem>>
    %dma_start3A_36 = tpu.memref_slice %arg5[%multiple_of3A_25] : memref<25600xi32, #tpu.memory_space<vmem>> -> memref<96xi32, #tpu.memory_space<vmem>>
    %dma_start3A_37 = arith.constant 0 : i32
    %dma_start3A_38 = arith.constant 0 : i32
    %dma_start3A_39 = tpu.memref_slice %arg3[%dma_start3A_37, %dma_start3A_38] : memref<1000000x128xf32, #tpu.memory_space<hbm>> -> memref<1000000x128xf32, #tpu.memory_space<hbm>>
    tpu.enqueue_indirect_dma source(%dma_start3A_39 : memref<1000000x128xf32, #tpu.memory_space<hbm>>) target(%dma_start3A_35 : memref<96x128xf32, #tpu.memory_space<vmem>>) offsets(%dma_start3A_36 : memref<96xi32, #tpu.memory_space<vmem>>) semaphore(%arg11 : memref<!tpu.dma_semaphore, #tpu.memory_space<semaphore_mem>>)
    %scan3A = arith.constant 0 : i32
    %scan3A_40 = arith.constant 0 : i32
    %scan3A_41 = arith.constant 42 : i32
    %scan3A_42 = arith.addi %scan3A_40, %scan3A_41 : i32
    %scan3A_43 = arith.constant 1 : i32
    scf.for %scan3A_218 = %scan3A_40 to %scan3A_42 step %scan3A_43  : i32 {
      %mul3A_219 = arith.constant 3 : i32
      %mul3A_220 = arith.muli %scan3A_218, %mul3A_219 : i32
      %add3A_221 = arith.constant 0 : i32
      %add3A_222 = arith.addi %mul3A_220, %add3A_221 : i32
      %add3A_223 = arith.constant 2 : i32
      %add3A_224 = arith.addi %add3A_222, %add3A_223 : i32
      %mul3A_225 = arith.constant 200 : i32
      %mul3A_226 = arith.muli %add3A_224, %mul3A_225 : i32
      %multiple_of3A_227 = tpu.assume_multiple %mul3A_226, 8 : i32
      %mul3A_228 = arith.constant 200 : i32
      %mul3A_229 = arith.muli %add3A_224, %mul3A_228 : i32
      %add3A_230 = arith.constant 104 : i32
      %add3A_231 = arith.addi %mul3A_229, %add3A_230 : i32
      %multiple_of3A_232 = tpu.assume_multiple %add3A_231, 8 : i32
      %dma_start3A_233 = arith.constant 0 : i32
      %dma_start3A_234 = arith.constant 0 : i32
      %dma_start3A_235 = tpu.memref_slice %arg8[%dma_start3A_233, %dma_start3A_234] : memref<200x128xf32, #tpu.memory_space<vmem>> -> memref<104x128xf32, #tpu.memory_space<vmem>>
      %dma_start3A_236 = tpu.memref_slice %arg5[%multiple_of3A_227] : memref<25600xi32, #tpu.memory_space<vmem>> -> memref<104xi32, #tpu.memory_space<vmem>>
      %dma_start3A_237 = arith.constant 0 : i32
      %dma_start3A_238 = arith.constant 0 : i32
      %dma_start3A_239 = tpu.memref_slice %arg3[%dma_start3A_237, %dma_start3A_238] : memref<1000000x128xf32, #tpu.memory_space<hbm>> -> memref<1000000x128xf32, #tpu.memory_space<hbm>>
      tpu.enqueue_indirect_dma source(%dma_start3A_239 : memref<1000000x128xf32, #tpu.memory_space<hbm>>) target(%dma_start3A_235 : memref<104x128xf32, #tpu.memory_space<vmem>>) offsets(%dma_start3A_236 : memref<104xi32, #tpu.memory_space<vmem>>) semaphore(%arg12 : memref<!tpu.dma_semaphore, #tpu.memory_space<semaphore_mem>>)
      %dma_start3A_240 = arith.constant 104 : i32
      %dma_start3A_241 = arith.constant 0 : i32
      %dma_start3A_242 = tpu.memref_slice %arg8[%dma_start3A_240, %dma_start3A_241] : memref<200x128xf32, #tpu.memory_space<vmem>> -> memref<96x128xf32, #tpu.memory_space<vmem>>
      %dma_start3A_243 = tpu.memref_slice %arg5[%multiple_of3A_232] : memref<25600xi32, #tpu.memory_space<vmem>> -> memref<96xi32, #tpu.memory_space<vmem>>
      %dma_start3A_244 = arith.constant 0 : i32
      %dma_start3A_245 = arith.constant 0 : i32
      %dma_start3A_246 = tpu.memref_slice %arg3[%dma_start3A_244, %dma_start3A_245] : memref<1000000x128xf32, #tpu.memory_space<hbm>> -> memref<1000000x128xf32, #tpu.memory_space<hbm>>
      tpu.enqueue_indirect_dma source(%dma_start3A_246 : memref<1000000x128xf32, #tpu.memory_space<hbm>>) target(%dma_start3A_242 : memref<96x128xf32, #tpu.memory_space<vmem>>) offsets(%dma_start3A_243 : memref<96xi32, #tpu.memory_space<vmem>>) semaphore(%arg12 : memref<!tpu.dma_semaphore, #tpu.memory_space<semaphore_mem>>)
      %mul3A_247 = arith.constant 200 : i32
      %mul3A_248 = arith.muli %add3A_222, %mul3A_247 : i32
      %multiple_of3A_249 = tpu.assume_multiple %mul3A_248, 8 : i32
      %mul3A_250 = arith.constant 200 : i32
      %mul3A_251 = arith.muli %add3A_222, %mul3A_250 : i32
      %add3A_252 = arith.constant 104 : i32
      %add3A_253 = arith.addi %mul3A_251, %add3A_252 : i32
      %multiple_of3A_254 = tpu.assume_multiple %add3A_253, 8 : i32
      %dma_wait3A_255 = arith.constant 0 : i32
      %dma_wait3A_256 = arith.constant 0 : i32
      %dma_wait3A_257 = tpu.memref_slice %arg6[%dma_wait3A_255, %dma_wait3A_256] : memref<200x128xf32, #tpu.memory_space<vmem>> -> memref<104x128xf32, #tpu.memory_space<vmem>>
      %dma_wait3A_258 = tpu.memref_slice %arg5[%multiple_of3A_249] : memref<25600xi32, #tpu.memory_space<vmem>> -> memref<104xi32, #tpu.memory_space<vmem>>
      %dma_wait3A_259 = arith.constant 0 : i32
      %dma_wait3A_260 = arith.constant 0 : i32
      %dma_wait3A_261 = tpu.memref_slice %arg3[%dma_wait3A_259, %dma_wait3A_260] : memref<1000000x128xf32, #tpu.memory_space<hbm>> -> memref<1000000x128xf32, #tpu.memory_space<hbm>>
      tpu.wait_indirect_dma semaphore(%arg10 : memref<!tpu.dma_semaphore, #tpu.memory_space<semaphore_mem>>) src(%dma_wait3A_261 : memref<1000000x128xf32, #tpu.memory_space<hbm>>) dst(%dma_wait3A_257 : memref<104x128xf32, #tpu.memory_space<vmem>>)
      %dma_wait3A_262 = arith.constant 104 : i32
      %dma_wait3A_263 = arith.constant 0 : i32
      %dma_wait3A_264 = tpu.memref_slice %arg6[%dma_wait3A_262, %dma_wait3A_263] : memref<200x128xf32, #tpu.memory_space<vmem>> -> memref<96x128xf32, #tpu.memory_space<vmem>>
      %dma_wait3A_265 = tpu.memref_slice %arg5[%multiple_of3A_254] : memref<25600xi32, #tpu.memory_space<vmem>> -> memref<96xi32, #tpu.memory_space<vmem>>
      %dma_wait3A_266 = arith.constant 0 : i32
      %dma_wait3A_267 = arith.constant 0 : i32
      %dma_wait3A_268 = tpu.memref_slice %arg3[%dma_wait3A_266, %dma_wait3A_267] : memref<1000000x128xf32, #tpu.memory_space<hbm>> -> memref<1000000x128xf32, #tpu.memory_space<hbm>>
      tpu.wait_indirect_dma semaphore(%arg10 : memref<!tpu.dma_semaphore, #tpu.memory_space<semaphore_mem>>) src(%dma_wait3A_268 : memref<1000000x128xf32, #tpu.memory_space<hbm>>) dst(%dma_wait3A_264 : memref<96x128xf32, #tpu.memory_space<vmem>>)
      %broadcast_in_dim3A_269 = arith.constant 0.000000e+00 : f32
      %broadcast_in_dim3A_270 = vector.broadcast %broadcast_in_dim3A_269 : f32 to vector<16xf32>
      %broadcast_in_dim3A_271 = arith.constant 0.000000e+00 : f32
      %broadcast_in_dim3A_272 = vector.broadcast %broadcast_in_dim3A_271 : f32 to vector<16xf32>
      %broadcast_in_dim3A_273 = arith.constant 0.000000e+00 : f32
      %broadcast_in_dim3A_274 = vector.broadcast %broadcast_in_dim3A_273 : f32 to vector<16xf32>
      %broadcast_in_dim3A_275 = arith.constant 0.000000e+00 : f32
      %broadcast_in_dim3A_276 = vector.broadcast %broadcast_in_dim3A_275 : f32 to vector<16xf32>
      %broadcast_in_dim3A_277 = arith.constant 0.000000e+00 : f32
      %broadcast_in_dim3A_278 = vector.broadcast %broadcast_in_dim3A_277 : f32 to vector<16xf32>
      %broadcast_in_dim3A_279 = arith.constant 0.000000e+00 : f32
      %broadcast_in_dim3A_280 = vector.broadcast %broadcast_in_dim3A_279 : f32 to vector<16xf32>
      %broadcast_in_dim3A_281 = arith.constant 0.000000e+00 : f32
      %broadcast_in_dim3A_282 = vector.broadcast %broadcast_in_dim3A_281 : f32 to vector<16xf32>
      %broadcast_in_dim3A_283 = arith.constant 0.000000e+00 : f32
      %broadcast_in_dim3A_284 = vector.broadcast %broadcast_in_dim3A_283 : f32 to vector<16xf32>
      %scan3A_285 = arith.constant 0 : i32
      %scan3A_286 = arith.constant 50 : i32
      %scan3A_287 = arith.addi %scan3A_285, %scan3A_286 : i32
      %scan3A_288 = arith.constant 1 : i32
      %scan3A_289:8 = scf.for %scan3A_555 = %scan3A_285 to %scan3A_287 step %scan3A_288 iter_args(%scan3A_556 = %broadcast_in_dim3A_270, %scan3A_557 = %broadcast_in_dim3A_272, %scan3A_558 = %broadcast_in_dim3A_274, %scan3A_559 = %broadcast_in_dim3A_276, %scan3A_560 = %broadcast_in_dim3A_278, %scan3A_561 = %broadcast_in_dim3A_280, %scan3A_562 = %broadcast_in_dim3A_282, %scan3A_563 = %broadcast_in_dim3A_284) -> (vector<16xf32>, vector<16xf32>, vector<16xf32>, vector<16xf32>, vector<16xf32>, vector<16xf32>, vector<16xf32>, vector<16xf32>)  : i32 {
        %mul3A_564 = arith.constant 4 : i32
        %mul3A_565 = arith.muli %scan3A_555, %mul3A_564 : i32
        %add3A_566 = arith.constant 0 : i32
        %add3A_567 = arith.addi %mul3A_565, %add3A_566 : i32
        %get3A = arith.index_cast %add3A_567 : i32 to index
        %get3A_568 = arith.constant 0 : index
        %get3A_569 = tpu.vector_load %arg6[%get3A, %get3A_568] {strides = array<i32>} : memref<200x128xf32, #tpu.memory_space<vmem>>, vector<1x16xf32>,
        %get3A_570 = vector.shape_cast %get3A_569 : vector<1x16xf32> to vector<16xf32>
        %add3A_571 = arith.addf %scan3A_556, %get3A_570 : vector<16xf32>
        %add3A_572 = arith.constant 0 : i32
        %add3A_573 = arith.addi %mul3A_565, %add3A_572 : i32
        %get3A_574 = arith.index_cast %add3A_573 : i32 to index
        %get3A_575 = arith.constant 16 : index
        %get3A_576 = tpu.vector_load %arg6[%get3A_574, %get3A_575] {strides = array<i32>} : memref<200x128xf32, #tpu.memory_space<vmem>>, vector<1x16xf32>,
        %get3A_577 = vector.shape_cast %get3A_576 : vector<1x16xf32> to vector<16xf32>
        %add3A_578 = arith.addf %scan3A_557, %get3A_577 : vector<16xf32>
        %add3A_579 = arith.constant 0 : i32
        %add3A_580 = arith.addi %mul3A_565, %add3A_579 : i32
        %get3A_581 = arith.index_cast %add3A_580 : i32 to index
        %get3A_582 = arith.constant 32 : index
        %get3A_583 = tpu.vector_load %arg6[%get3A_581, %get3A_582] {strides = array<i32>} : memref<200x128xf32, #tpu.memory_space<vmem>>, vector<1x16xf32>,
        %get3A_584 = vector.shape_cast %get3A_583 : vector<1x16xf32> to vector<16xf32>
        %add3A_585 = arith.addf %scan3A_558, %get3A_584 : vector<16xf32>
        %add3A_586 = arith.constant 0 : i32
        %add3A_587 = arith.addi %mul3A_565, %add3A_586 : i32
        %get3A_588 = arith.index_cast %add3A_587 : i32 to index
        %get3A_589 = arith.constant 48 : index
        %get3A_590 = tpu.vector_load %arg6[%get3A_588, %get3A_589] {strides = array<i32>} : memref<200x128xf32, #tpu.memory_space<vmem>>, vector<1x16xf32>,
        %get3A_591 = vector.shape_cast %get3A_590 : vector<1x16xf32> to vector<16xf32>
        %add3A_592 = arith.addf %scan3A_559, %get3A_591 : vector<16xf32>
        %add3A_593 = arith.constant 0 : i32
        %add3A_594 = arith.addi %mul3A_565, %add3A_593 : i32
        %get3A_595 = arith.index_cast %add3A_594 : i32 to index
        %get3A_596 = arith.constant 64 : index
        %get3A_597 = tpu.vector_load %arg6[%get3A_595, %get3A_596] {strides = array<i32>} : memref<200x128xf32, #tpu.memory_space<vmem>>, vector<1x16xf32>,
        %get3A_598 = vector.shape_cast %get3A_597 : vector<1x16xf32> to vector<16xf32>
        %add3A_599 = arith.addf %scan3A_560, %get3A_598 : vector<16xf32>
        %add3A_600 = arith.constant 0 : i32
        %add3A_601 = arith.addi %mul3A_565, %add3A_600 : i32
        %get3A_602 = arith.index_cast %add3A_601 : i32 to index
        %get3A_603 = arith.constant 80 : index
        %get3A_604 = tpu.vector_load %arg6[%get3A_602, %get3A_603] {strides = array<i32>} : memref<200x128xf32, #tpu.memory_space<vmem>>, vector<1x16xf32>,
        %get3A_605 = vector.shape_cast %get3A_604 : vector<1x16xf32> to vector<16xf32>
        %add3A_606 = arith.addf %scan3A_561, %get3A_605 : vector<16xf32>
        %add3A_607 = arith.constant 0 : i32
        %add3A_608 = arith.addi %mul3A_565, %add3A_607 : i32
        %get3A_609 = arith.index_cast %add3A_608 : i32 to index
        %get3A_610 = arith.constant 96 : index
        %get3A_611 = tpu.vector_load %arg6[%get3A_609, %get3A_610] {strides = array<i32>} : memref<200x128xf32, #tpu.memory_space<vmem>>, vector<1x16xf32>,
        %get3A_612 = vector.shape_cast %get3A_611 : vector<1x16xf32> to vector<16xf32>
        %add3A_613 = arith.addf %scan3A_562, %get3A_612 : vector<16xf32>
        %add3A_614 = arith.constant 0 : i32
        %add3A_615 = arith.addi %mul3A_565, %add3A_614 : i32
        %get3A_616 = arith.index_cast %add3A_615 : i32 to index
        %get3A_617 = arith.constant 112 : index
        %get3A_618 = tpu.vector_load %arg6[%get3A_616, %get3A_617] {strides = array<i32>} : memref<200x128xf32, #tpu.memory_space<vmem>>, vector<1x16xf32>,
        %get3A_619 = vector.shape_cast %get3A_618 : vector<1x16xf32> to vector<16xf32>
        %add3A_620 = arith.addf %scan3A_563, %get3A_619 : vector<16xf32>
        %add3A_621 = arith.constant 1 : i32
        %add3A_622 = arith.addi %mul3A_565, %add3A_621 : i32
        %get3A_623 = arith.index_cast %add3A_622 : i32 to index
        %get3A_624 = arith.constant 0 : index
        %get3A_625 = tpu.vector_load %arg6[%get3A_623, %get3A_624] {strides = array<i32>} : memref<200x128xf32, #tpu.memory_space<vmem>>, vector<1x16xf32>,
        %get3A_626 = vector.shape_cast %get3A_625 : vector<1x16xf32> to vector<16xf32>
        %add3A_627 = arith.addf %add3A_571, %get3A_626 : vector<16xf32>
        %add3A_628 = arith.constant 1 : i32
        %add3A_629 = arith.addi %mul3A_565, %add3A_628 : i32
        %get3A_630 = arith.index_cast %add3A_629 : i32 to index
        %get3A_631 = arith.constant 16 : index
        %get3A_632 = tpu.vector_load %arg6[%get3A_630, %get3A_631] {strides = array<i32>} : memref<200x128xf32, #tpu.memory_space<vmem>>, vector<1x16xf32>,
        %get3A_633 = vector.shape_cast %get3A_632 : vector<1x16xf32> to vector<16xf32>
        %add3A_634 = arith.addf %add3A_578, %get3A_633 : vector<16xf32>
        %add3A_635 = arith.constant 1 : i32
        %add3A_636 = arith.addi %mul3A_565, %add3A_635 : i32
        %get3A_637 = arith.index_cast %add3A_636 : i32 to index
        %get3A_638 = arith.constant 32 : index
        %get3A_639 = tpu.vector_load %arg6[%get3A_637, %get3A_638] {strides = array<i32>} : memref<200x128xf32, #tpu.memory_space<vmem>>, vector<1x16xf32>,
        %get3A_640 = vector.shape_cast %get3A_639 : vector<1x16xf32> to vector<16xf32>
        %add3A_641 = arith.addf %add3A_585, %get3A_640 : vector<16xf32>
        %add3A_642 = arith.constant 1 : i32
        %add3A_643 = arith.addi %mul3A_565, %add3A_642 : i32
        %get3A_644 = arith.index_cast %add3A_643 : i32 to index
        %get3A_645 = arith.constant 48 : index
        %get3A_646 = tpu.vector_load %arg6[%get3A_644, %get3A_645] {strides = array<i32>} : memref<200x128xf32, #tpu.memory_space<vmem>>, vector<1x16xf32>,
        %get3A_647 = vector.shape_cast %get3A_646 : vector<1x16xf32> to vector<16xf32>
        %add3A_648 = arith.addf %add3A_592, %get3A_647 : vector<16xf32>
        %add3A_649 = arith.constant 1 : i32
        %add3A_650 = arith.addi %mul3A_565, %add3A_649 : i32
        %get3A_651 = arith.index_cast %add3A_650 : i32 to index
        %get3A_652 = arith.constant 64 : index
        %get3A_653 = tpu.vector_load %arg6[%get3A_651, %get3A_652] {strides = array<i32>} : memref<200x128xf32, #tpu.memory_space<vmem>>, vector<1x16xf32>,
        %get3A_654 = vector.shape_cast %get3A_653 : vector<1x16xf32> to vector<16xf32>
        %add3A_655 = arith.addf %add3A_599, %get3A_654 : vector<16xf32>
        %add3A_656 = arith.constant 1 : i32
        %add3A_657 = arith.addi %mul3A_565, %add3A_656 : i32
        %get3A_658 = arith.index_cast %add3A_657 : i32 to index
        %get3A_659 = arith.constant 80 : index
        %get3A_660 = tpu.vector_load %arg6[%get3A_658, %get3A_659] {strides = array<i32>} : memref<200x128xf32, #tpu.memory_space<vmem>>, vector<1x16xf32>,
        %get3A_661 = vector.shape_cast %get3A_660 : vector<1x16xf32> to vector<16xf32>
        %add3A_662 = arith.addf %add3A_606, %get3A_661 : vector<16xf32>
        %add3A_663 = arith.constant 1 : i32
        %add3A_664 = arith.addi %mul3A_565, %add3A_663 : i32
        %get3A_665 = arith.index_cast %add3A_664 : i32 to index
        %get3A_666 = arith.constant 96 : index
        %get3A_667 = tpu.vector_load %arg6[%get3A_665, %get3A_666] {strides = array<i32>} : memref<200x128xf32, #tpu.memory_space<vmem>>, vector<1x16xf32>,
        %get3A_668 = vector.shape_cast %get3A_667 : vector<1x16xf32> to vector<16xf32>
        %add3A_669 = arith.addf %add3A_613, %get3A_668 : vector<16xf32>
        %add3A_670 = arith.constant 1 : i32
        %add3A_671 = arith.addi %mul3A_565, %add3A_670 : i32
        %get3A_672 = arith.index_cast %add3A_671 : i32 to index
        %get3A_673 = arith.constant 112 : index
        %get3A_674 = tpu.vector_load %arg6[%get3A_672, %get3A_673] {strides = array<i32>} : memref<200x128xf32, #tpu.memory_space<vmem>>, vector<1x16xf32>,
        %get3A_675 = vector.shape_cast %get3A_674 : vector<1x16xf32> to vector<16xf32>
        %add3A_676 = arith.addf %add3A_620, %get3A_675 : vector<16xf32>
        %add3A_677 = arith.constant 2 : i32
        %add3A_678 = arith.addi %mul3A_565, %add3A_677 : i32
        %get3A_679 = arith.index_cast %add3A_678 : i32 to index
        %get3A_680 = arith.constant 0 : index
        %get3A_681 = tpu.vector_load %arg6[%get3A_679, %get3A_680] {strides = array<i32>} : memref<200x128xf32, #tpu.memory_space<vmem>>, vector<1x16xf32>,
        %get3A_682 = vector.shape_cast %get3A_681 : vector<1x16xf32> to vector<16xf32>
        %add3A_683 = arith.addf %add3A_627, %get3A_682 : vector<16xf32>
        %add3A_684 = arith.constant 2 : i32
        %add3A_685 = arith.addi %mul3A_565, %add3A_684 : i32
        %get3A_686 = arith.index_cast %add3A_685 : i32 to index
        %get3A_687 = arith.constant 16 : index
        %get3A_688 = tpu.vector_load %arg6[%get3A_686, %get3A_687] {strides = array<i32>} : memref<200x128xf32, #tpu.memory_space<vmem>>, vector<1x16xf32>,
        %get3A_689 = vector.shape_cast %get3A_688 : vector<1x16xf32> to vector<16xf32>
        %add3A_690 = arith.addf %add3A_634, %get3A_689 : vector<16xf32>
        %add3A_691 = arith.constant 2 : i32
        %add3A_692 = arith.addi %mul3A_565, %add3A_691 : i32
        %get3A_693 = arith.index_cast %add3A_692 : i32 to index
        %get3A_694 = arith.constant 32 : index
        %get3A_695 = tpu.vector_load %arg6[%get3A_693, %get3A_694] {strides = array<i32>} : memref<200x128xf32, #tpu.memory_space<vmem>>, vector<1x16xf32>,
        %get3A_696 = vector.shape_cast %get3A_695 : vector<1x16xf32> to vector<16xf32>
        %add3A_697 = arith.addf %add3A_641, %get3A_696 : vector<16xf32>
        %add3A_698 = arith.constant 2 : i32
        %add3A_699 = arith.addi %mul3A_565, %add3A_698 : i32
        %get3A_700 = arith.index_cast %add3A_699 : i32 to index
        %get3A_701 = arith.constant 48 : index
        %get3A_702 = tpu.vector_load %arg6[%get3A_700, %get3A_701] {strides = array<i32>} : memref<200x128xf32, #tpu.memory_space<vmem>>, vector<1x16xf32>,
        %get3A_703 = vector.shape_cast %get3A_702 : vector<1x16xf32> to vector<16xf32>
        %add3A_704 = arith.addf %add3A_648, %get3A_703 : vector<16xf32>
        %add3A_705 = arith.constant 2 : i32
        %add3A_706 = arith.addi %mul3A_565, %add3A_705 : i32
        %get3A_707 = arith.index_cast %add3A_706 : i32 to index
        %get3A_708 = arith.constant 64 : index
        %get3A_709 = tpu.vector_load %arg6[%get3A_707, %get3A_708] {strides = array<i32>} : memref<200x128xf32, #tpu.memory_space<vmem>>, vector<1x16xf32>,
        %get3A_710 = vector.shape_cast %get3A_709 : vector<1x16xf32> to vector<16xf32>
        %add3A_711 = arith.addf %add3A_655, %get3A_710 : vector<16xf32>
        %add3A_712 = arith.constant 2 : i32
        %add3A_713 = arith.addi %mul3A_565, %add3A_712 : i32
        %get3A_714 = arith.index_cast %add3A_713 : i32 to index
        %get3A_715 = arith.constant 80 : index
        %get3A_716 = tpu.vector_load %arg6[%get3A_714, %get3A_715] {strides = array<i32>} : memref<200x128xf32, #tpu.memory_space<vmem>>, vector<1x16xf32>,
        %get3A_717 = vector.shape_cast %get3A_716 : vector<1x16xf32> to vector<16xf32>
        %add3A_718 = arith.addf %add3A_662, %get3A_717 : vector<16xf32>
        %add3A_719 = arith.constant 2 : i32
        %add3A_720 = arith.addi %mul3A_565, %add3A_719 : i32
        %get3A_721 = arith.index_cast %add3A_720 : i32 to index
        %get3A_722 = arith.constant 96 : index
        %get3A_723 = tpu.vector_load %arg6[%get3A_721, %get3A_722] {strides = array<i32>} : memref<200x128xf32, #tpu.memory_space<vmem>>, vector<1x16xf32>,
        %get3A_724 = vector.shape_cast %get3A_723 : vector<1x16xf32> to vector<16xf32>
        %add3A_725 = arith.addf %add3A_669, %get3A_724 : vector<16xf32>
        %add3A_726 = arith.constant 2 : i32
        %add3A_727 = arith.addi %mul3A_565, %add3A_726 : i32
        %get3A_728 = arith.index_cast %add3A_727 : i32 to index
        %get3A_729 = arith.constant 112 : index
        %get3A_730 = tpu.vector_load %arg6[%get3A_728, %get3A_729] {strides = array<i32>} : memref<200x128xf32, #tpu.memory_space<vmem>>, vector<1x16xf32>,
        %get3A_731 = vector.shape_cast %get3A_730 : vector<1x16xf32> to vector<16xf32>
        %add3A_732 = arith.addf %add3A_676, %get3A_731 : vector<16xf32>
        %add3A_733 = arith.constant 3 : i32
        %add3A_734 = arith.addi %mul3A_565, %add3A_733 : i32
        %get3A_735 = arith.index_cast %add3A_734 : i32 to index
        %get3A_736 = arith.constant 0 : index
        %get3A_737 = tpu.vector_load %arg6[%get3A_735, %get3A_736] {strides = array<i32>} : memref<200x128xf32, #tpu.memory_space<vmem>>, vector<1x16xf32>,
        %get3A_738 = vector.shape_cast %get3A_737 : vector<1x16xf32> to vector<16xf32>
        %add3A_739 = arith.addf %add3A_683, %get3A_738 : vector<16xf32>
        %add3A_740 = arith.constant 3 : i32
        %add3A_741 = arith.addi %mul3A_565, %add3A_740 : i32
        %get3A_742 = arith.index_cast %add3A_741 : i32 to index
        %get3A_743 = arith.constant 16 : index
        %get3A_744 = tpu.vector_load %arg6[%get3A_742, %get3A_743] {strides = array<i32>} : memref<200x128xf32, #tpu.memory_space<vmem>>, vector<1x16xf32>,
        %get3A_745 = vector.shape_cast %get3A_744 : vector<1x16xf32> to vector<16xf32>
        %add3A_746 = arith.addf %add3A_690, %get3A_745 : vector<16xf32>
        %add3A_747 = arith.constant 3 : i32
        %add3A_748 = arith.addi %mul3A_565, %add3A_747 : i32
        %get3A_749 = arith.index_cast %add3A_748 : i32 to index
        %get3A_750 = arith.constant 32 : index
        %get3A_751 = tpu.vector_load %arg6[%get3A_749, %get3A_750] {strides = array<i32>} : memref<200x128xf32, #tpu.memory_space<vmem>>, vector<1x16xf32>,
        %get3A_752 = vector.shape_cast %get3A_751 : vector<1x16xf32> to vector<16xf32>
        %add3A_753 = arith.addf %add3A_697, %get3A_752 : vector<16xf32>
        %add3A_754 = arith.constant 3 : i32
        %add3A_755 = arith.addi %mul3A_565, %add3A_754 : i32
        %get3A_756 = arith.index_cast %add3A_755 : i32 to index
        %get3A_757 = arith.constant 48 : index
        %get3A_758 = tpu.vector_load %arg6[%get3A_756, %get3A_757] {strides = array<i32>} : memref<200x128xf32, #tpu.memory_space<vmem>>, vector<1x16xf32>,
        %get3A_759 = vector.shape_cast %get3A_758 : vector<1x16xf32> to vector<16xf32>
        %add3A_760 = arith.addf %add3A_704, %get3A_759 : vector<16xf32>
        %add3A_761 = arith.constant 3 : i32
        %add3A_762 = arith.addi %mul3A_565, %add3A_761 : i32
        %get3A_763 = arith.index_cast %add3A_762 : i32 to index
        %get3A_764 = arith.constant 64 : index
        %get3A_765 = tpu.vector_load %arg6[%get3A_763, %get3A_764] {strides = array<i32>} : memref<200x128xf32, #tpu.memory_space<vmem>>, vector<1x16xf32>,
        %get3A_766 = vector.shape_cast %get3A_765 : vector<1x16xf32> to vector<16xf32>
        %add3A_767 = arith.addf %add3A_711, %get3A_766 : vector<16xf32>
        %add3A_768 = arith.constant 3 : i32
        %add3A_769 = arith.addi %mul3A_565, %add3A_768 : i32
        %get3A_770 = arith.index_cast %add3A_769 : i32 to index
        %get3A_771 = arith.constant 80 : index
        %get3A_772 = tpu.vector_load %arg6[%get3A_770, %get3A_771] {strides = array<i32>} : memref<200x128xf32, #tpu.memory_space<vmem>>, vector<1x16xf32>,
        %get3A_773 = vector.shape_cast %get3A_772 : vector<1x16xf32> to vector<16xf32>
        %add3A_774 = arith.addf %add3A_718, %get3A_773 : vector<16xf32>
        %add3A_775 = arith.constant 3 : i32
        %add3A_776 = arith.addi %mul3A_565, %add3A_775 : i32
        %get3A_777 = arith.index_cast %add3A_776 : i32 to index
        %get3A_778 = arith.constant 96 : index
        %get3A_779 = tpu.vector_load %arg6[%get3A_777, %get3A_778] {strides = array<i32>} : memref<200x128xf32, #tpu.memory_space<vmem>>, vector<1x16xf32>,
        %get3A_780 = vector.shape_cast %get3A_779 : vector<1x16xf32> to vector<16xf32>
        %add3A_781 = arith.addf %add3A_725, %get3A_780 : vector<16xf32>
        %add3A_782 = arith.constant 3 : i32
        %add3A_783 = arith.addi %mul3A_565, %add3A_782 : i32
        %get3A_784 = arith.index_cast %add3A_783 : i32 to index
        %get3A_785 = arith.constant 112 : index
        %get3A_786 = tpu.vector_load %arg6[%get3A_784, %get3A_785] {strides = array<i32>} : memref<200x128xf32, #tpu.memory_space<vmem>>, vector<1x16xf32>,
        %get3A_787 = vector.shape_cast %get3A_786 : vector<1x16xf32> to vector<16xf32>
        %add3A_788 = arith.addf %add3A_732, %get3A_787 : vector<16xf32>
        scf.yield %add3A_739, %add3A_746, %add3A_753, %add3A_760, %add3A_767, %add3A_774, %add3A_781, %add3A_788 : vector<16xf32>, vector<16xf32>, vector<16xf32>, vector<16xf32>, vector<16xf32>, vector<16xf32>, vector<16xf32>, vector<16xf32>
      }
      %scan3A_290 = arith.constant 50 : i32
      %swap3A_291 = arith.index_cast %add3A_222 : i32 to index
      %swap3A_292 = arith.constant 0 : index
      %swap3A_293 = tpu.vector_load %arg9[%swap3A_291, %swap3A_292] {strides = array<i32>} : memref<128x128xf32, #tpu.memory_space<vmem>>, vector<1x16xf32>,
      %swap3A_294 = vector.shape_cast %swap3A_293 : vector<1x16xf32> to vector<16xf32>
      %swap3A_295 = vector.shape_cast %scan3A_289#0 : vector<16xf32> to vector<1x16xf32>
      tpu.vector_store %arg9[%swap3A_291, %swap3A_292], %swap3A_295 {strides = array<i32>} : memref<128x128xf32, #tpu.memory_space<vmem>>, vector<1x16xf32>,
      %swap3A_296 = arith.index_cast %add3A_222 : i32 to index
      %swap3A_297 = arith.constant 16 : index
      %swap3A_298 = tpu.vector_load %arg9[%swap3A_296, %swap3A_297] {strides = array<i32>} : memref<128x128xf32, #tpu.memory_space<vmem>>, vector<1x16xf32>,
      %swap3A_299 = vector.shape_cast %swap3A_298 : vector<1x16xf32> to vector<16xf32>
      %swap3A_300 = vector.shape_cast %scan3A_289#1 : vector<16xf32> to vector<1x16xf32>
      tpu.vector_store %arg9[%swap3A_296, %swap3A_297], %swap3A_300 {strides = array<i32>} : memref<128x128xf32, #tpu.memory_space<vmem>>, vector<1x16xf32>,
      %swap3A_301 = arith.index_cast %add3A_222 : i32 to index
      %swap3A_302 = arith.constant 32 : index
      %swap3A_303 = tpu.vector_load %arg9[%swap3A_301, %swap3A_302] {strides = array<i32>} : memref<128x128xf32, #tpu.memory_space<vmem>>, vector<1x16xf32>,
      %swap3A_304 = vector.shape_cast %swap3A_303 : vector<1x16xf32> to vector<16xf32>
      %swap3A_305 = vector.shape_cast %scan3A_289#2 : vector<16xf32> to vector<1x16xf32>
      tpu.vector_store %arg9[%swap3A_301, %swap3A_302], %swap3A_305 {strides = array<i32>} : memref<128x128xf32, #tpu.memory_space<vmem>>, vector<1x16xf32>,
      %swap3A_306 = arith.index_cast %add3A_222 : i32 to index
      %swap3A_307 = arith.constant 48 : index
      %swap3A_308 = tpu.vector_load %arg9[%swap3A_306, %swap3A_307] {strides = array<i32>} : memref<128x128xf32, #tpu.memory_space<vmem>>, vector<1x16xf32>,
      %swap3A_309 = vector.shape_cast %swap3A_308 : vector<1x16xf32> to vector<16xf32>
      %swap3A_310 = vector.shape_cast %scan3A_289#3 : vector<16xf32> to vector<1x16xf32>
      tpu.vector_store %arg9[%swap3A_306, %swap3A_307], %swap3A_310 {strides = array<i32>} : memref<128x128xf32, #tpu.memory_space<vmem>>, vector<1x16xf32>,
      %swap3A_311 = arith.index_cast %add3A_222 : i32 to index
      %swap3A_312 = arith.constant 64 : index
      %swap3A_313 = tpu.vector_load %arg9[%swap3A_311, %swap3A_312] {strides = array<i32>} : memref<128x128xf32, #tpu.memory_space<vmem>>, vector<1x16xf32>,
      %swap3A_314 = vector.shape_cast %swap3A_313 : vector<1x16xf32> to vector<16xf32>
      %swap3A_315 = vector.shape_cast %scan3A_289#4 : vector<16xf32> to vector<1x16xf32>
      tpu.vector_store %arg9[%swap3A_311, %swap3A_312], %swap3A_315 {strides = array<i32>} : memref<128x128xf32, #tpu.memory_space<vmem>>, vector<1x16xf32>,
      %swap3A_316 = arith.index_cast %add3A_222 : i32 to index
      %swap3A_317 = arith.constant 80 : index
      %swap3A_318 = tpu.vector_load %arg9[%swap3A_316, %swap3A_317] {strides = array<i32>} : memref<128x128xf32, #tpu.memory_space<vmem>>, vector<1x16xf32>,
      %swap3A_319 = vector.shape_cast %swap3A_318 : vector<1x16xf32> to vector<16xf32>
      %swap3A_320 = vector.shape_cast %scan3A_289#5 : vector<16xf32> to vector<1x16xf32>
      tpu.vector_store %arg9[%swap3A_316, %swap3A_317], %swap3A_320 {strides = array<i32>} : memref<128x128xf32, #tpu.memory_space<vmem>>, vector<1x16xf32>,
      %swap3A_321 = arith.index_cast %add3A_222 : i32 to index
      %swap3A_322 = arith.constant 96 : index
      %swap3A_323 = tpu.vector_load %arg9[%swap3A_321, %swap3A_322] {strides = array<i32>} : memref<128x128xf32, #tpu.memory_space<vmem>>, vector<1x16xf32>,
      %swap3A_324 = vector.shape_cast %swap3A_323 : vector<1x16xf32> to vector<16xf32>
      %swap3A_325 = vector.shape_cast %scan3A_289#6 : vector<16xf32> to vector<1x16xf32>
      tpu.vector_store %arg9[%swap3A_321, %swap3A_322], %swap3A_325 {strides = array<i32>} : memref<128x128xf32, #tpu.memory_space<vmem>>, vector<1x16xf32>,
      %swap3A_326 = arith.index_cast %add3A_222 : i32 to index
      %swap3A_327 = arith.constant 112 : index
      %swap3A_328 = tpu.vector_load %arg9[%swap3A_326, %swap3A_327] {strides = array<i32>} : memref<128x128xf32, #tpu.memory_space<vmem>>, vector<1x16xf32>,
      %swap3A_329 = vector.shape_cast %swap3A_328 : vector<1x16xf32> to vector<16xf32>
      %swap3A_330 = vector.shape_cast %scan3A_289#7 : vector<16xf32> to vector<1x16xf32>
      tpu.vector_store %arg9[%swap3A_326, %swap3A_327], %swap3A_330 {strides = array<i32>} : memref<128x128xf32, #tpu.memory_space<vmem>>, vector<1x16xf32>,
      %mul3A_331 = arith.constant 3 : i32
      %mul3A_332 = arith.muli %scan3A_218, %mul3A_331 : i32
      %add3A_333 = arith.constant 1 : i32
      %add3A_334 = arith.addi %mul3A_332, %add3A_333 : i32
      %add3A_335 = arith.constant 2 : i32
      %add3A_336 = arith.addi %add3A_334, %add3A_335 : i32
      %mul3A_337 = arith.constant 200 : i32
      %mul3A_338 = arith.muli %add3A_336, %mul3A_337 : i32
      %multiple_of3A_339 = tpu.assume_multiple %mul3A_338, 8 : i32
      %mul3A_340 = arith.constant 200 : i32
      %mul3A_341 = arith.muli %add3A_336, %mul3A_340 : i32
      %add3A_342 = arith.constant 104 : i32
      %add3A_343 = arith.addi %mul3A_341, %add3A_342 : i32
      %multiple_of3A_344 = tpu.assume_multiple %add3A_343, 8 : i32
      %dma_start3A_345 = arith.constant 0 : i32
      %dma_start3A_346 = arith.constant 0 : i32
      %dma_start3A_347 = tpu.memref_slice %arg6[%dma_start3A_345, %dma_start3A_346] : memref<200x128xf32, #tpu.memory_space<vmem>> -> memref<104x128xf32, #tpu.memory_space<vmem>>
      %dma_start3A_348 = tpu.memref_slice %arg5[%multiple_of3A_339] : memref<25600xi32, #tpu.memory_space<vmem>> -> memref<104xi32, #tpu.memory_space<vmem>>
      %dma_start3A_349 = arith.constant 0 : i32
      %dma_start3A_350 = arith.constant 0 : i32
      %dma_start3A_351 = tpu.memref_slice %arg3[%dma_start3A_349, %dma_start3A_350] : memref<1000000x128xf32, #tpu.memory_space<hbm>> -> memref<1000000x128xf32, #tpu.memory_space<hbm>>
      tpu.enqueue_indirect_dma source(%dma_start3A_351 : memref<1000000x128xf32, #tpu.memory_space<hbm>>) target(%dma_start3A_347 : memref<104x128xf32, #tpu.memory_space<vmem>>) offsets(%dma_start3A_348 : memref<104xi32, #tpu.memory_space<vmem>>) semaphore(%arg10 : memref<!tpu.dma_semaphore, #tpu.memory_space<semaphore_mem>>)
      %dma_start3A_352 = arith.constant 104 : i32
      %dma_start3A_353 = arith.constant 0 : i32
      %dma_start3A_354 = tpu.memref_slice %arg6[%dma_start3A_352, %dma_start3A_353] : memref<200x128xf32, #tpu.memory_space<vmem>> -> memref<96x128xf32, #tpu.memory_space<vmem>>
      %dma_start3A_355 = tpu.memref_slice %arg5[%multiple_of3A_344] : memref<25600xi32, #tpu.memory_space<vmem>> -> memref<96xi32, #tpu.memory_space<vmem>>
      %dma_start3A_356 = arith.constant 0 : i32
      %dma_start3A_357 = arith.constant 0 : i32
      %dma_start3A_358 = tpu.memref_slice %arg3[%dma_start3A_356, %dma_start3A_357] : memref<1000000x128xf32, #tpu.memory_space<hbm>> -> memref<1000000x128xf32, #tpu.memory_space<hbm>>
      tpu.enqueue_indirect_dma source(%dma_start3A_358 : memref<1000000x128xf32, #tpu.memory_space<hbm>>) target(%dma_start3A_354 : memref<96x128xf32, #tpu.memory_space<vmem>>) offsets(%dma_start3A_355 : memref<96xi32, #tpu.memory_space<vmem>>) semaphore(%arg10 : memref<!tpu.dma_semaphore, #tpu.memory_space<semaphore_mem>>)
      %mul3A_359 = arith.constant 200 : i32
      %mul3A_360 = arith.muli %add3A_334, %mul3A_359 : i32
      %multiple_of3A_361 = tpu.assume_multiple %mul3A_360, 8 : i32
      %mul3A_362 = arith.constant 200 : i32
      %mul3A_363 = arith.muli %add3A_334, %mul3A_362 : i32
      %add3A_364 = arith.constant 104 : i32
      %add3A_365 = arith.addi %mul3A_363, %add3A_364 : i32
      %multiple_of3A_366 = tpu.assume_multiple %add3A_365, 8 : i32
      %dma_wait3A_367 = arith.constant 0 : i32
      %dma_wait3A_368 = arith.constant 0 : i32
      %dma_wait3A_369 = tpu.memref_slice %arg7[%dma_wait3A_367, %dma_wait3A_368] : memref<200x128xf32, #tpu.memory_space<vmem>> -> memref<104x128xf32, #tpu.memory_space<vmem>>
      %dma_wait3A_370 = tpu.memref_slice %arg5[%multiple_of3A_361] : memref<25600xi32, #tpu.memory_space<vmem>> -> memref<104xi32, #tpu.memory_space<vmem>>
      %dma_wait3A_371 = arith.constant 0 : i32
      %dma_wait3A_372 = arith.constant 0 : i32
      %dma_wait3A_373 = tpu.memref_slice %arg3[%dma_wait3A_371, %dma_wait3A_372] : memref<1000000x128xf32, #tpu.memory_space<hbm>> -> memref<1000000x128xf32, #tpu.memory_space<hbm>>
      tpu.wait_indirect_dma semaphore(%arg11 : memref<!tpu.dma_semaphore, #tpu.memory_space<semaphore_mem>>) src(%dma_wait3A_373 : memref<1000000x128xf32, #tpu.memory_space<hbm>>) dst(%dma_wait3A_369 : memref<104x128xf32, #tpu.memory_space<vmem>>)
      %dma_wait3A_374 = arith.constant 104 : i32
      %dma_wait3A_375 = arith.constant 0 : i32
      %dma_wait3A_376 = tpu.memref_slice %arg7[%dma_wait3A_374, %dma_wait3A_375] : memref<200x128xf32, #tpu.memory_space<vmem>> -> memref<96x128xf32, #tpu.memory_space<vmem>>
      %dma_wait3A_377 = tpu.memref_slice %arg5[%multiple_of3A_366] : memref<25600xi32, #tpu.memory_space<vmem>> -> memref<96xi32, #tpu.memory_space<vmem>>
      %dma_wait3A_378 = arith.constant 0 : i32
      %dma_wait3A_379 = arith.constant 0 : i32
      %dma_wait3A_380 = tpu.memref_slice %arg3[%dma_wait3A_378, %dma_wait3A_379] : memref<1000000x128xf32, #tpu.memory_space<hbm>> -> memref<1000000x128xf32, #tpu.memory_space<hbm>>
      tpu.wait_indirect_dma semaphore(%arg11 : memref<!tpu.dma_semaphore, #tpu.memory_space<semaphore_mem>>) src(%dma_wait3A_380 : memref<1000000x128xf32, #tpu.memory_space<hbm>>) dst(%dma_wait3A_376 : memref<96x128xf32, #tpu.memory_space<vmem>>)
      %broadcast_in_dim3A_381 = arith.constant 0.000000e+00 : f32
      %broadcast_in_dim3A_382 = vector.broadcast %broadcast_in_dim3A_381 : f32 to vector<16xf32>
      %broadcast_in_dim3A_383 = arith.constant 0.000000e+00 : f32
      %broadcast_in_dim3A_384 = vector.broadcast %broadcast_in_dim3A_383 : f32 to vector<16xf32>
      %broadcast_in_dim3A_385 = arith.constant 0.000000e+00 : f32
      %broadcast_in_dim3A_386 = vector.broadcast %broadcast_in_dim3A_385 : f32 to vector<16xf32>
      %broadcast_in_dim3A_387 = arith.constant 0.000000e+00 : f32
      %broadcast_in_dim3A_388 = vector.broadcast %broadcast_in_dim3A_387 : f32 to vector<16xf32>
      %broadcast_in_dim3A_389 = arith.constant 0.000000e+00 : f32
      %broadcast_in_dim3A_390 = vector.broadcast %broadcast_in_dim3A_389 : f32 to vector<16xf32>
      %broadcast_in_dim3A_391 = arith.constant 0.000000e+00 : f32
      %broadcast_in_dim3A_392 = vector.broadcast %broadcast_in_dim3A_391 : f32 to vector<16xf32>
      %broadcast_in_dim3A_393 = arith.constant 0.000000e+00 : f32
      %broadcast_in_dim3A_394 = vector.broadcast %broadcast_in_dim3A_393 : f32 to vector<16xf32>
      %broadcast_in_dim3A_395 = arith.constant 0.000000e+00 : f32
      %broadcast_in_dim3A_396 = vector.broadcast %broadcast_in_dim3A_395 : f32 to vector<16xf32>
      %scan3A_397 = arith.constant 0 : i32
      %scan3A_398 = arith.constant 50 : i32
      %scan3A_399 = arith.addi %scan3A_397, %scan3A_398 : i32
      %scan3A_400 = arith.constant 1 : i32
      %scan3A_401:8 = scf.for %scan3A_555 = %scan3A_397 to %scan3A_399 step %scan3A_400 iter_args(%scan3A_556 = %broadcast_in_dim3A_382, %scan3A_557 = %broadcast_in_dim3A_384, %scan3A_558 = %broadcast_in_dim3A_386, %scan3A_559 = %broadcast_in_dim3A_388, %scan3A_560 = %broadcast_in_dim3A_390, %scan3A_561 = %broadcast_in_dim3A_392, %scan3A_562 = %broadcast_in_dim3A_394, %scan3A_563 = %broadcast_in_dim3A_396) -> (vector<16xf32>, vector<16xf32>, vector<16xf32>, vector<16xf32>, vector<16xf32>, vector<16xf32>, vector<16xf32>, vector<16xf32>)  : i32 {
        %mul3A_564 = arith.constant 4 : i32
        %mul3A_565 = arith.muli %scan3A_555, %mul3A_564 : i32
        %add3A_566 = arith.constant 0 : i32
        %add3A_567 = arith.addi %mul3A_565, %add3A_566 : i32
        %get3A = arith.index_cast %add3A_567 : i32 to index
        %get3A_568 = arith.constant 0 : index
        %get3A_569 = tpu.vector_load %arg7[%get3A, %get3A_568] {strides = array<i32>} : memref<200x128xf32, #tpu.memory_space<vmem>>, vector<1x16xf32>,
        %get3A_570 = vector.shape_cast %get3A_569 : vector<1x16xf32> to vector<16xf32>
        %add3A_571 = arith.addf %scan3A_556, %get3A_570 : vector<16xf32>
        %add3A_572 = arith.constant 0 : i32
        %add3A_573 = arith.addi %mul3A_565, %add3A_572 : i32
        %get3A_574 = arith.index_cast %add3A_573 : i32 to index
        %get3A_575 = arith.constant 16 : index
        %get3A_576 = tpu.vector_load %arg7[%get3A_574, %get3A_575] {strides = array<i32>} : memref<200x128xf32, #tpu.memory_space<vmem>>, vector<1x16xf32>,
        %get3A_577 = vector.shape_cast %get3A_576 : vector<1x16xf32> to vector<16xf32>
        %add3A_578 = arith.addf %scan3A_557, %get3A_577 : vector<16xf32>
        %add3A_579 = arith.constant 0 : i32
        %add3A_580 = arith.addi %mul3A_565, %add3A_579 : i32
        %get3A_581 = arith.index_cast %add3A_580 : i32 to index
        %get3A_582 = arith.constant 32 : index
        %get3A_583 = tpu.vector_load %arg7[%get3A_581, %get3A_582] {strides = array<i32>} : memref<200x128xf32, #tpu.memory_space<vmem>>, vector<1x16xf32>,
        %get3A_584 = vector.shape_cast %get3A_583 : vector<1x16xf32> to vector<16xf32>
        %add3A_585 = arith.addf %scan3A_558, %get3A_584 : vector<16xf32>
        %add3A_586 = arith.constant 0 : i32
        %add3A_587 = arith.addi %mul3A_565, %add3A_586 : i32
        %get3A_588 = arith.index_cast %add3A_587 : i32 to index
        %get3A_589 = arith.constant 48 : index
        %get3A_590 = tpu.vector_load %arg7[%get3A_588, %get3A_589] {strides = array<i32>} : memref<200x128xf32, #tpu.memory_space<vmem>>, vector<1x16xf32>,
        %get3A_591 = vector.shape_cast %get3A_590 : vector<1x16xf32> to vector<16xf32>
        %add3A_592 = arith.addf %scan3A_559, %get3A_591 : vector<16xf32>
        %add3A_593 = arith.constant 0 : i32
        %add3A_594 = arith.addi %mul3A_565, %add3A_593 : i32
        %get3A_595 = arith.index_cast %add3A_594 : i32 to index
        %get3A_596 = arith.constant 64 : index
        %get3A_597 = tpu.vector_load %arg7[%get3A_595, %get3A_596] {strides = array<i32>} : memref<200x128xf32, #tpu.memory_space<vmem>>, vector<1x16xf32>,
        %get3A_598 = vector.shape_cast %get3A_597 : vector<1x16xf32> to vector<16xf32>
        %add3A_599 = arith.addf %scan3A_560, %get3A_598 : vector<16xf32>
        %add3A_600 = arith.constant 0 : i32
        %add3A_601 = arith.addi %mul3A_565, %add3A_600 : i32
        %get3A_602 = arith.index_cast %add3A_601 : i32 to index
        %get3A_603 = arith.constant 80 : index
        %get3A_604 = tpu.vector_load %arg7[%get3A_602, %get3A_603] {strides = array<i32>} : memref<200x128xf32, #tpu.memory_space<vmem>>, vector<1x16xf32>,
        %get3A_605 = vector.shape_cast %get3A_604 : vector<1x16xf32> to vector<16xf32>
        %add3A_606 = arith.addf %scan3A_561, %get3A_605 : vector<16xf32>
        %add3A_607 = arith.constant 0 : i32
        %add3A_608 = arith.addi %mul3A_565, %add3A_607 : i32
        %get3A_609 = arith.index_cast %add3A_608 : i32 to index
        %get3A_610 = arith.constant 96 : index
        %get3A_611 = tpu.vector_load %arg7[%get3A_609, %get3A_610] {strides = array<i32>} : memref<200x128xf32, #tpu.memory_space<vmem>>, vector<1x16xf32>,
        %get3A_612 = vector.shape_cast %get3A_611 : vector<1x16xf32> to vector<16xf32>
        %add3A_613 = arith.addf %scan3A_562, %get3A_612 : vector<16xf32>
        %add3A_614 = arith.constant 0 : i32
        %add3A_615 = arith.addi %mul3A_565, %add3A_614 : i32
        %get3A_616 = arith.index_cast %add3A_615 : i32 to index
        %get3A_617 = arith.constant 112 : index
        %get3A_618 = tpu.vector_load %arg7[%get3A_616, %get3A_617] {strides = array<i32>} : memref<200x128xf32, #tpu.memory_space<vmem>>, vector<1x16xf32>,
        %get3A_619 = vector.shape_cast %get3A_618 : vector<1x16xf32> to vector<16xf32>
        %add3A_620 = arith.addf %scan3A_563, %get3A_619 : vector<16xf32>
        %add3A_621 = arith.constant 1 : i32
        %add3A_622 = arith.addi %mul3A_565, %add3A_621 : i32
        %get3A_623 = arith.index_cast %add3A_622 : i32 to index
        %get3A_624 = arith.constant 0 : index
        %get3A_625 = tpu.vector_load %arg7[%get3A_623, %get3A_624] {strides = array<i32>} : memref<200x128xf32, #tpu.memory_space<vmem>>, vector<1x16xf32>,
        %get3A_626 = vector.shape_cast %get3A_625 : vector<1x16xf32> to vector<16xf32>
        %add3A_627 = arith.addf %add3A_571, %get3A_626 : vector<16xf32>
        %add3A_628 = arith.constant 1 : i32
        %add3A_629 = arith.addi %mul3A_565, %add3A_628 : i32
        %get3A_630 = arith.index_cast %add3A_629 : i32 to index
        %get3A_631 = arith.constant 16 : index
        %get3A_632 = tpu.vector_load %arg7[%get3A_630, %get3A_631] {strides = array<i32>} : memref<200x128xf32, #tpu.memory_space<vmem>>, vector<1x16xf32>,
        %get3A_633 = vector.shape_cast %get3A_632 : vector<1x16xf32> to vector<16xf32>
        %add3A_634 = arith.addf %add3A_578, %get3A_633 : vector<16xf32>
        %add3A_635 = arith.constant 1 : i32
        %add3A_636 = arith.addi %mul3A_565, %add3A_635 : i32
        %get3A_637 = arith.index_cast %add3A_636 : i32 to index
        %get3A_638 = arith.constant 32 : index
        %get3A_639 = tpu.vector_load %arg7[%get3A_637, %get3A_638] {strides = array<i32>} : memref<200x128xf32, #tpu.memory_space<vmem>>, vector<1x16xf32>,
        %get3A_640 = vector.shape_cast %get3A_639 : vector<1x16xf32> to vector<16xf32>
        %add3A_641 = arith.addf %add3A_585, %get3A_640 : vector<16xf32>
        %add3A_642 = arith.constant 1 : i32
        %add3A_643 = arith.addi %mul3A_565, %add3A_642 : i32
        %get3A_644 = arith.index_cast %add3A_643 : i32 to index
        %get3A_645 = arith.constant 48 : index
        %get3A_646 = tpu.vector_load %arg7[%get3A_644, %get3A_645] {strides = array<i32>} : memref<200x128xf32, #tpu.memory_space<vmem>>, vector<1x16xf32>,
        %get3A_647 = vector.shape_cast %get3A_646 : vector<1x16xf32> to vector<16xf32>
        %add3A_648 = arith.addf %add3A_592, %get3A_647 : vector<16xf32>
        %add3A_649 = arith.constant 1 : i32
        %add3A_650 = arith.addi %mul3A_565, %add3A_649 : i32
        %get3A_651 = arith.index_cast %add3A_650 : i32 to index
        %get3A_652 = arith.constant 64 : index
        %get3A_653 = tpu.vector_load %arg7[%get3A_651, %get3A_652] {strides = array<i32>} : memref<200x128xf32, #tpu.memory_space<vmem>>, vector<1x16xf32>,
        %get3A_654 = vector.shape_cast %get3A_653 : vector<1x16xf32> to vector<16xf32>
        %add3A_655 = arith.addf %add3A_599, %get3A_654 : vector<16xf32>
        %add3A_656 = arith.constant 1 : i32
        %add3A_657 = arith.addi %mul3A_565, %add3A_656 : i32
        %get3A_658 = arith.index_cast %add3A_657 : i32 to index
        %get3A_659 = arith.constant 80 : index
        %get3A_660 = tpu.vector_load %arg7[%get3A_658, %get3A_659] {strides = array<i32>} : memref<200x128xf32, #tpu.memory_space<vmem>>, vector<1x16xf32>,
        %get3A_661 = vector.shape_cast %get3A_660 : vector<1x16xf32> to vector<16xf32>
        %add3A_662 = arith.addf %add3A_606, %get3A_661 : vector<16xf32>
        %add3A_663 = arith.constant 1 : i32
        %add3A_664 = arith.addi %mul3A_565, %add3A_663 : i32
        %get3A_665 = arith.index_cast %add3A_664 : i32 to index
        %get3A_666 = arith.constant 96 : index
        %get3A_667 = tpu.vector_load %arg7[%get3A_665, %get3A_666] {strides = array<i32>} : memref<200x128xf32, #tpu.memory_space<vmem>>, vector<1x16xf32>,
        %get3A_668 = vector.shape_cast %get3A_667 : vector<1x16xf32> to vector<16xf32>
        %add3A_669 = arith.addf %add3A_613, %get3A_668 : vector<16xf32>
        %add3A_670 = arith.constant 1 : i32
        %add3A_671 = arith.addi %mul3A_565, %add3A_670 : i32
        %get3A_672 = arith.index_cast %add3A_671 : i32 to index
        %get3A_673 = arith.constant 112 : index
        %get3A_674 = tpu.vector_load %arg7[%get3A_672, %get3A_673] {strides = array<i32>} : memref<200x128xf32, #tpu.memory_space<vmem>>, vector<1x16xf32>,
        %get3A_675 = vector.shape_cast %get3A_674 : vector<1x16xf32> to vector<16xf32>
        %add3A_676 = arith.addf %add3A_620, %get3A_675 : vector<16xf32>
        %add3A_677 = arith.constant 2 : i32
        %add3A_678 = arith.addi %mul3A_565, %add3A_677 : i32
        %get3A_679 = arith.index_cast %add3A_678 : i32 to index
        %get3A_680 = arith.constant 0 : index
        %get3A_681 = tpu.vector_load %arg7[%get3A_679, %get3A_680] {strides = array<i32>} : memref<200x128xf32, #tpu.memory_space<vmem>>, vector<1x16xf32>,
        %get3A_682 = vector.shape_cast %get3A_681 : vector<1x16xf32> to vector<16xf32>
        %add3A_683 = arith.addf %add3A_627, %get3A_682 : vector<16xf32>
        %add3A_684 = arith.constant 2 : i32
        %add3A_685 = arith.addi %mul3A_565, %add3A_684 : i32
        %get3A_686 = arith.index_cast %add3A_685 : i32 to index
        %get3A_687 = arith.constant 16 : index
        %get3A_688 = tpu.vector_load %arg7[%get3A_686, %get3A_687] {strides = array<i32>} : memref<200x128xf32, #tpu.memory_space<vmem>>, vector<1x16xf32>,
        %get3A_689 = vector.shape_cast %get3A_688 : vector<1x16xf32> to vector<16xf32>
        %add3A_690 = arith.addf %add3A_634, %get3A_689 : vector<16xf32>
        %add3A_691 = arith.constant 2 : i32
        %add3A_692 = arith.addi %mul3A_565, %add3A_691 : i32
        %get3A_693 = arith.index_cast %add3A_692 : i32 to index
        %get3A_694 = arith.constant 32 : index
        %get3A_695 = tpu.vector_load %arg7[%get3A_693, %get3A_694] {strides = array<i32>} : memref<200x128xf32, #tpu.memory_space<vmem>>, vector<1x16xf32>,
        %get3A_696 = vector.shape_cast %get3A_695 : vector<1x16xf32> to vector<16xf32>
        %add3A_697 = arith.addf %add3A_641, %get3A_696 : vector<16xf32>
        %add3A_698 = arith.constant 2 : i32
        %add3A_699 = arith.addi %mul3A_565, %add3A_698 : i32
        %get3A_700 = arith.index_cast %add3A_699 : i32 to index
        %get3A_701 = arith.constant 48 : index
        %get3A_702 = tpu.vector_load %arg7[%get3A_700, %get3A_701] {strides = array<i32>} : memref<200x128xf32, #tpu.memory_space<vmem>>, vector<1x16xf32>,
        %get3A_703 = vector.shape_cast %get3A_702 : vector<1x16xf32> to vector<16xf32>
        %add3A_704 = arith.addf %add3A_648, %get3A_703 : vector<16xf32>
        %add3A_705 = arith.constant 2 : i32
        %add3A_706 = arith.addi %mul3A_565, %add3A_705 : i32
        %get3A_707 = arith.index_cast %add3A_706 : i32 to index
        %get3A_708 = arith.constant 64 : index
        %get3A_709 = tpu.vector_load %arg7[%get3A_707, %get3A_708] {strides = array<i32>} : memref<200x128xf32, #tpu.memory_space<vmem>>, vector<1x16xf32>,
        %get3A_710 = vector.shape_cast %get3A_709 : vector<1x16xf32> to vector<16xf32>
        %add3A_711 = arith.addf %add3A_655, %get3A_710 : vector<16xf32>
        %add3A_712 = arith.constant 2 : i32
        %add3A_713 = arith.addi %mul3A_565, %add3A_712 : i32
        %get3A_714 = arith.index_cast %add3A_713 : i32 to index
        %get3A_715 = arith.constant 80 : index
        %get3A_716 = tpu.vector_load %arg7[%get3A_714, %get3A_715] {strides = array<i32>} : memref<200x128xf32, #tpu.memory_space<vmem>>, vector<1x16xf32>,
        %get3A_717 = vector.shape_cast %get3A_716 : vector<1x16xf32> to vector<16xf32>
        %add3A_718 = arith.addf %add3A_662, %get3A_717 : vector<16xf32>
        %add3A_719 = arith.constant 2 : i32
        %add3A_720 = arith.addi %mul3A_565, %add3A_719 : i32
        %get3A_721 = arith.index_cast %add3A_720 : i32 to index
        %get3A_722 = arith.constant 96 : index
        %get3A_723 = tpu.vector_load %arg7[%get3A_721, %get3A_722] {strides = array<i32>} : memref<200x128xf32, #tpu.memory_space<vmem>>, vector<1x16xf32>,
        %get3A_724 = vector.shape_cast %get3A_723 : vector<1x16xf32> to vector<16xf32>
        %add3A_725 = arith.addf %add3A_669, %get3A_724 : vector<16xf32>
        %add3A_726 = arith.constant 2 : i32
        %add3A_727 = arith.addi %mul3A_565, %add3A_726 : i32
        %get3A_728 = arith.index_cast %add3A_727 : i32 to index
        %get3A_729 = arith.constant 112 : index
        %get3A_730 = tpu.vector_load %arg7[%get3A_728, %get3A_729] {strides = array<i32>} : memref<200x128xf32, #tpu.memory_space<vmem>>, vector<1x16xf32>,
        %get3A_731 = vector.shape_cast %get3A_730 : vector<1x16xf32> to vector<16xf32>
        %add3A_732 = arith.addf %add3A_676, %get3A_731 : vector<16xf32>
        %add3A_733 = arith.constant 3 : i32
        %add3A_734 = arith.addi %mul3A_565, %add3A_733 : i32
        %get3A_735 = arith.index_cast %add3A_734 : i32 to index
        %get3A_736 = arith.constant 0 : index
        %get3A_737 = tpu.vector_load %arg7[%get3A_735, %get3A_736] {strides = array<i32>} : memref<200x128xf32, #tpu.memory_space<vmem>>, vector<1x16xf32>,
        %get3A_738 = vector.shape_cast %get3A_737 : vector<1x16xf32> to vector<16xf32>
        %add3A_739 = arith.addf %add3A_683, %get3A_738 : vector<16xf32>
        %add3A_740 = arith.constant 3 : i32
        %add3A_741 = arith.addi %mul3A_565, %add3A_740 : i32
        %get3A_742 = arith.index_cast %add3A_741 : i32 to index
        %get3A_743 = arith.constant 16 : index
        %get3A_744 = tpu.vector_load %arg7[%get3A_742, %get3A_743] {strides = array<i32>} : memref<200x128xf32, #tpu.memory_space<vmem>>, vector<1x16xf32>,
        %get3A_745 = vector.shape_cast %get3A_744 : vector<1x16xf32> to vector<16xf32>
        %add3A_746 = arith.addf %add3A_690, %get3A_745 : vector<16xf32>
        %add3A_747 = arith.constant 3 : i32
        %add3A_748 = arith.addi %mul3A_565, %add3A_747 : i32
        %get3A_749 = arith.index_cast %add3A_748 : i32 to index
        %get3A_750 = arith.constant 32 : index
        %get3A_751 = tpu.vector_load %arg7[%get3A_749, %get3A_750] {strides = array<i32>} : memref<200x128xf32, #tpu.memory_space<vmem>>, vector<1x16xf32>,
        %get3A_752 = vector.shape_cast %get3A_751 : vector<1x16xf32> to vector<16xf32>
        %add3A_753 = arith.addf %add3A_697, %get3A_752 : vector<16xf32>
        %add3A_754 = arith.constant 3 : i32
        %add3A_755 = arith.addi %mul3A_565, %add3A_754 : i32
        %get3A_756 = arith.index_cast %add3A_755 : i32 to index
        %get3A_757 = arith.constant 48 : index
        %get3A_758 = tpu.vector_load %arg7[%get3A_756, %get3A_757] {strides = array<i32>} : memref<200x128xf32, #tpu.memory_space<vmem>>, vector<1x16xf32>,
        %get3A_759 = vector.shape_cast %get3A_758 : vector<1x16xf32> to vector<16xf32>
        %add3A_760 = arith.addf %add3A_704, %get3A_759 : vector<16xf32>
        %add3A_761 = arith.constant 3 : i32
        %add3A_762 = arith.addi %mul3A_565, %add3A_761 : i32
        %get3A_763 = arith.index_cast %add3A_762 : i32 to index
        %get3A_764 = arith.constant 64 : index
        %get3A_765 = tpu.vector_load %arg7[%get3A_763, %get3A_764] {strides = array<i32>} : memref<200x128xf32, #tpu.memory_space<vmem>>, vector<1x16xf32>,
        %get3A_766 = vector.shape_cast %get3A_765 : vector<1x16xf32> to vector<16xf32>
        %add3A_767 = arith.addf %add3A_711, %get3A_766 : vector<16xf32>
        %add3A_768 = arith.constant 3 : i32
        %add3A_769 = arith.addi %mul3A_565, %add3A_768 : i32
        %get3A_770 = arith.index_cast %add3A_769 : i32 to index
        %get3A_771 = arith.constant 80 : index
        %get3A_772 = tpu.vector_load %arg7[%get3A_770, %get3A_771] {strides = array<i32>} : memref<200x128xf32, #tpu.memory_space<vmem>>, vector<1x16xf32>,
        %get3A_773 = vector.shape_cast %get3A_772 : vector<1x16xf32> to vector<16xf32>
        %add3A_774 = arith.addf %add3A_718, %get3A_773 : vector<16xf32>
        %add3A_775 = arith.constant 3 : i32
        %add3A_776 = arith.addi %mul3A_565, %add3A_775 : i32
        %get3A_777 = arith.index_cast %add3A_776 : i32 to index
        %get3A_778 = arith.constant 96 : index
        %get3A_779 = tpu.vector_load %arg7[%get3A_777, %get3A_778] {strides = array<i32>} : memref<200x128xf32, #tpu.memory_space<vmem>>, vector<1x16xf32>,
        %get3A_780 = vector.shape_cast %get3A_779 : vector<1x16xf32> to vector<16xf32>
        %add3A_781 = arith.addf %add3A_725, %get3A_780 : vector<16xf32>
        %add3A_782 = arith.constant 3 : i32
        %add3A_783 = arith.addi %mul3A_565, %add3A_782 : i32
        %get3A_784 = arith.index_cast %add3A_783 : i32 to index
        %get3A_785 = arith.constant 112 : index
        %get3A_786 = tpu.vector_load %arg7[%get3A_784, %get3A_785] {strides = array<i32>} : memref<200x128xf32, #tpu.memory_space<vmem>>, vector<1x16xf32>,
        %get3A_787 = vector.shape_cast %get3A_786 : vector<1x16xf32> to vector<16xf32>
        %add3A_788 = arith.addf %add3A_732, %get3A_787 : vector<16xf32>
        scf.yield %add3A_739, %add3A_746, %add3A_753, %add3A_760, %add3A_767, %add3A_774, %add3A_781, %add3A_788 : vector<16xf32>, vector<16xf32>, vector<16xf32>, vector<16xf32>, vector<16xf32>, vector<16xf32>, vector<16xf32>, vector<16xf32>
      }
      %scan3A_402 = arith.constant 50 : i32
      %swap3A_403 = arith.index_cast %add3A_334 : i32 to index
      %swap3A_404 = arith.constant 0 : index
      %swap3A_405 = tpu.vector_load %arg9[%swap3A_403, %swap3A_404] {strides = array<i32>} : memref<128x128xf32, #tpu.memory_space<vmem>>, vector<1x16xf32>,
      %swap3A_406 = vector.shape_cast %swap3A_405 : vector<1x16xf32> to vector<16xf32>
      %swap3A_407 = vector.shape_cast %scan3A_401#0 : vector<16xf32> to vector<1x16xf32>
      tpu.vector_store %arg9[%swap3A_403, %swap3A_404], %swap3A_407 {strides = array<i32>} : memref<128x128xf32, #tpu.memory_space<vmem>>, vector<1x16xf32>,
      %swap3A_408 = arith.index_cast %add3A_334 : i32 to index
      %swap3A_409 = arith.constant 16 : index
      %swap3A_410 = tpu.vector_load %arg9[%swap3A_408, %swap3A_409] {strides = array<i32>} : memref<128x128xf32, #tpu.memory_space<vmem>>, vector<1x16xf32>,
      %swap3A_411 = vector.shape_cast %swap3A_410 : vector<1x16xf32> to vector<16xf32>
      %swap3A_412 = vector.shape_cast %scan3A_401#1 : vector<16xf32> to vector<1x16xf32>
      tpu.vector_store %arg9[%swap3A_408, %swap3A_409], %swap3A_412 {strides = array<i32>} : memref<128x128xf32, #tpu.memory_space<vmem>>, vector<1x16xf32>,
      %swap3A_413 = arith.index_cast %add3A_334 : i32 to index
      %swap3A_414 = arith.constant 32 : index
      %swap3A_415 = tpu.vector_load %arg9[%swap3A_413, %swap3A_414] {strides = array<i32>} : memref<128x128xf32, #tpu.memory_space<vmem>>, vector<1x16xf32>,
      %swap3A_416 = vector.shape_cast %swap3A_415 : vector<1x16xf32> to vector<16xf32>
      %swap3A_417 = vector.shape_cast %scan3A_401#2 : vector<16xf32> to vector<1x16xf32>
      tpu.vector_store %arg9[%swap3A_413, %swap3A_414], %swap3A_417 {strides = array<i32>} : memref<128x128xf32, #tpu.memory_space<vmem>>, vector<1x16xf32>,
      %swap3A_418 = arith.index_cast %add3A_334 : i32 to index
      %swap3A_419 = arith.constant 48 : index
      %swap3A_420 = tpu.vector_load %arg9[%swap3A_418, %swap3A_419] {strides = array<i32>} : memref<128x128xf32, #tpu.memory_space<vmem>>, vector<1x16xf32>,
      %swap3A_421 = vector.shape_cast %swap3A_420 : vector<1x16xf32> to vector<16xf32>
      %swap3A_422 = vector.shape_cast %scan3A_401#3 : vector<16xf32> to vector<1x16xf32>
      tpu.vector_store %arg9[%swap3A_418, %swap3A_419], %swap3A_422 {strides = array<i32>} : memref<128x128xf32, #tpu.memory_space<vmem>>, vector<1x16xf32>,
      %swap3A_423 = arith.index_cast %add3A_334 : i32 to index
      %swap3A_424 = arith.constant 64 : index
      %swap3A_425 = tpu.vector_load %arg9[%swap3A_423, %swap3A_424] {strides = array<i32>} : memref<128x128xf32, #tpu.memory_space<vmem>>, vector<1x16xf32>,
      %swap3A_426 = vector.shape_cast %swap3A_425 : vector<1x16xf32> to vector<16xf32>
      %swap3A_427 = vector.shape_cast %scan3A_401#4 : vector<16xf32> to vector<1x16xf32>
      tpu.vector_store %arg9[%swap3A_423, %swap3A_424], %swap3A_427 {strides = array<i32>} : memref<128x128xf32, #tpu.memory_space<vmem>>, vector<1x16xf32>,
      %swap3A_428 = arith.index_cast %add3A_334 : i32 to index
      %swap3A_429 = arith.constant 80 : index
      %swap3A_430 = tpu.vector_load %arg9[%swap3A_428, %swap3A_429] {strides = array<i32>} : memref<128x128xf32, #tpu.memory_space<vmem>>, vector<1x16xf32>,
      %swap3A_431 = vector.shape_cast %swap3A_430 : vector<1x16xf32> to vector<16xf32>
      %swap3A_432 = vector.shape_cast %scan3A_401#5 : vector<16xf32> to vector<1x16xf32>
      tpu.vector_store %arg9[%swap3A_428, %swap3A_429], %swap3A_432 {strides = array<i32>} : memref<128x128xf32, #tpu.memory_space<vmem>>, vector<1x16xf32>,
      %swap3A_433 = arith.index_cast %add3A_334 : i32 to index
      %swap3A_434 = arith.constant 96 : index
      %swap3A_435 = tpu.vector_load %arg9[%swap3A_433, %swap3A_434] {strides = array<i32>} : memref<128x128xf32, #tpu.memory_space<vmem>>, vector<1x16xf32>,
      %swap3A_436 = vector.shape_cast %swap3A_435 : vector<1x16xf32> to vector<16xf32>
      %swap3A_437 = vector.shape_cast %scan3A_401#6 : vector<16xf32> to vector<1x16xf32>
      tpu.vector_store %arg9[%swap3A_433, %swap3A_434], %swap3A_437 {strides = array<i32>} : memref<128x128xf32, #tpu.memory_space<vmem>>, vector<1x16xf32>,
      %swap3A_438 = arith.index_cast %add3A_334 : i32 to index
      %swap3A_439 = arith.constant 112 : index
      %swap3A_440 = tpu.vector_load %arg9[%swap3A_438, %swap3A_439] {strides = array<i32>} : memref<128x128xf32, #tpu.memory_space<vmem>>, vector<1x16xf32>,
      %swap3A_441 = vector.shape_cast %swap3A_440 : vector<1x16xf32> to vector<16xf32>
      %swap3A_442 = vector.shape_cast %scan3A_401#7 : vector<16xf32> to vector<1x16xf32>
      tpu.vector_store %arg9[%swap3A_438, %swap3A_439], %swap3A_442 {strides = array<i32>} : memref<128x128xf32, #tpu.memory_space<vmem>>, vector<1x16xf32>,
      %mul3A_443 = arith.constant 3 : i32
      %mul3A_444 = arith.muli %scan3A_218, %mul3A_443 : i32
      %add3A_445 = arith.constant 2 : i32
      %add3A_446 = arith.addi %mul3A_444, %add3A_445 : i32
      %add3A_447 = arith.constant 2 : i32
      %add3A_448 = arith.addi %add3A_446, %add3A_447 : i32
      %mul3A_449 = arith.constant 200 : i32
      %mul3A_450 = arith.muli %add3A_448, %mul3A_449 : i32
      %multiple_of3A_451 = tpu.assume_multiple %mul3A_450, 8 : i32
      %mul3A_452 = arith.constant 200 : i32
      %mul3A_453 = arith.muli %add3A_448, %mul3A_452 : i32
      %add3A_454 = arith.constant 104 : i32
      %add3A_455 = arith.addi %mul3A_453, %add3A_454 : i32
      %multiple_of3A_456 = tpu.assume_multiple %add3A_455, 8 : i32
      %dma_start3A_457 = arith.constant 0 : i32
      %dma_start3A_458 = arith.constant 0 : i32
      %dma_start3A_459 = tpu.memref_slice %arg7[%dma_start3A_457, %dma_start3A_458] : memref<200x128xf32, #tpu.memory_space<vmem>> -> memref<104x128xf32, #tpu.memory_space<vmem>>
      %dma_start3A_460 = tpu.memref_slice %arg5[%multiple_of3A_451] : memref<25600xi32, #tpu.memory_space<vmem>> -> memref<104xi32, #tpu.memory_space<vmem>>
      %dma_start3A_461 = arith.constant 0 : i32
      %dma_start3A_462 = arith.constant 0 : i32
      %dma_start3A_463 = tpu.memref_slice %arg3[%dma_start3A_461, %dma_start3A_462] : memref<1000000x128xf32, #tpu.memory_space<hbm>> -> memref<1000000x128xf32, #tpu.memory_space<hbm>>
      tpu.enqueue_indirect_dma source(%dma_start3A_463 : memref<1000000x128xf32, #tpu.memory_space<hbm>>) target(%dma_start3A_459 : memref<104x128xf32, #tpu.memory_space<vmem>>) offsets(%dma_start3A_460 : memref<104xi32, #tpu.memory_space<vmem>>) semaphore(%arg11 : memref<!tpu.dma_semaphore, #tpu.memory_space<semaphore_mem>>)
      %dma_start3A_464 = arith.constant 104 : i32
      %dma_start3A_465 = arith.constant 0 : i32
      %dma_start3A_466 = tpu.memref_slice %arg7[%dma_start3A_464, %dma_start3A_465] : memref<200x128xf32, #tpu.memory_space<vmem>> -> memref<96x128xf32, #tpu.memory_space<vmem>>
      %dma_start3A_467 = tpu.memref_slice %arg5[%multiple_of3A_456] : memref<25600xi32, #tpu.memory_space<vmem>> -> memref<96xi32, #tpu.memory_space<vmem>>
      %dma_start3A_468 = arith.constant 0 : i32
      %dma_start3A_469 = arith.constant 0 : i32
      %dma_start3A_470 = tpu.memref_slice %arg3[%dma_start3A_468, %dma_start3A_469] : memref<1000000x128xf32, #tpu.memory_space<hbm>> -> memref<1000000x128xf32, #tpu.memory_space<hbm>>
      tpu.enqueue_indirect_dma source(%dma_start3A_470 : memref<1000000x128xf32, #tpu.memory_space<hbm>>) target(%dma_start3A_466 : memref<96x128xf32, #tpu.memory_space<vmem>>) offsets(%dma_start3A_467 : memref<96xi32, #tpu.memory_space<vmem>>) semaphore(%arg11 : memref<!tpu.dma_semaphore, #tpu.memory_space<semaphore_mem>>)
      %mul3A_471 = arith.constant 200 : i32
      %mul3A_472 = arith.muli %add3A_446, %mul3A_471 : i32
      %multiple_of3A_473 = tpu.assume_multiple %mul3A_472, 8 : i32
      %mul3A_474 = arith.constant 200 : i32
      %mul3A_475 = arith.muli %add3A_446, %mul3A_474 : i32
      %add3A_476 = arith.constant 104 : i32
      %add3A_477 = arith.addi %mul3A_475, %add3A_476 : i32
      %multiple_of3A_478 = tpu.assume_multiple %add3A_477, 8 : i32
      %dma_wait3A_479 = arith.constant 0 : i32
      %dma_wait3A_480 = arith.constant 0 : i32
      %dma_wait3A_481 = tpu.memref_slice %arg8[%dma_wait3A_479, %dma_wait3A_480] : memref<200x128xf32, #tpu.memory_space<vmem>> -> memref<104x128xf32, #tpu.memory_space<vmem>>
      %dma_wait3A_482 = tpu.memref_slice %arg5[%multiple_of3A_473] : memref<25600xi32, #tpu.memory_space<vmem>> -> memref<104xi32, #tpu.memory_space<vmem>>
      %dma_wait3A_483 = arith.constant 0 : i32
      %dma_wait3A_484 = arith.constant 0 : i32
      %dma_wait3A_485 = tpu.memref_slice %arg3[%dma_wait3A_483, %dma_wait3A_484] : memref<1000000x128xf32, #tpu.memory_space<hbm>> -> memref<1000000x128xf32, #tpu.memory_space<hbm>>
      tpu.wait_indirect_dma semaphore(%arg12 : memref<!tpu.dma_semaphore, #tpu.memory_space<semaphore_mem>>) src(%dma_wait3A_485 : memref<1000000x128xf32, #tpu.memory_space<hbm>>) dst(%dma_wait3A_481 : memref<104x128xf32, #tpu.memory_space<vmem>>)
      %dma_wait3A_486 = arith.constant 104 : i32
      %dma_wait3A_487 = arith.constant 0 : i32
      %dma_wait3A_488 = tpu.memref_slice %arg8[%dma_wait3A_486, %dma_wait3A_487] : memref<200x128xf32, #tpu.memory_space<vmem>> -> memref<96x128xf32, #tpu.memory_space<vmem>>
      %dma_wait3A_489 = tpu.memref_slice %arg5[%multiple_of3A_478] : memref<25600xi32, #tpu.memory_space<vmem>> -> memref<96xi32, #tpu.memory_space<vmem>>
      %dma_wait3A_490 = arith.constant 0 : i32
      %dma_wait3A_491 = arith.constant 0 : i32
      %dma_wait3A_492 = tpu.memref_slice %arg3[%dma_wait3A_490, %dma_wait3A_491] : memref<1000000x128xf32, #tpu.memory_space<hbm>> -> memref<1000000x128xf32, #tpu.memory_space<hbm>>
      tpu.wait_indirect_dma semaphore(%arg12 : memref<!tpu.dma_semaphore, #tpu.memory_space<semaphore_mem>>) src(%dma_wait3A_492 : memref<1000000x128xf32, #tpu.memory_space<hbm>>) dst(%dma_wait3A_488 : memref<96x128xf32, #tpu.memory_space<vmem>>)
      %broadcast_in_dim3A_493 = arith.constant 0.000000e+00 : f32
      %broadcast_in_dim3A_494 = vector.broadcast %broadcast_in_dim3A_493 : f32 to vector<16xf32>
      %broadcast_in_dim3A_495 = arith.constant 0.000000e+00 : f32
      %broadcast_in_dim3A_496 = vector.broadcast %broadcast_in_dim3A_495 : f32 to vector<16xf32>
      %broadcast_in_dim3A_497 = arith.constant 0.000000e+00 : f32
      %broadcast_in_dim3A_498 = vector.broadcast %broadcast_in_dim3A_497 : f32 to vector<16xf32>
      %broadcast_in_dim3A_499 = arith.constant 0.000000e+00 : f32
      %broadcast_in_dim3A_500 = vector.broadcast %broadcast_in_dim3A_499 : f32 to vector<16xf32>
      %broadcast_in_dim3A_501 = arith.constant 0.000000e+00 : f32
      %broadcast_in_dim3A_502 = vector.broadcast %broadcast_in_dim3A_501 : f32 to vector<16xf32>
      %broadcast_in_dim3A_503 = arith.constant 0.000000e+00 : f32
      %broadcast_in_dim3A_504 = vector.broadcast %broadcast_in_dim3A_503 : f32 to vector<16xf32>
      %broadcast_in_dim3A_505 = arith.constant 0.000000e+00 : f32
      %broadcast_in_dim3A_506 = vector.broadcast %broadcast_in_dim3A_505 : f32 to vector<16xf32>
      %broadcast_in_dim3A_507 = arith.constant 0.000000e+00 : f32
      %broadcast_in_dim3A_508 = vector.broadcast %broadcast_in_dim3A_507 : f32 to vector<16xf32>
      %scan3A_509 = arith.constant 0 : i32
      %scan3A_510 = arith.constant 50 : i32
      %scan3A_511 = arith.addi %scan3A_509, %scan3A_510 : i32
      %scan3A_512 = arith.constant 1 : i32
      %scan3A_513:8 = scf.for %scan3A_555 = %scan3A_509 to %scan3A_511 step %scan3A_512 iter_args(%scan3A_556 = %broadcast_in_dim3A_494, %scan3A_557 = %broadcast_in_dim3A_496, %scan3A_558 = %broadcast_in_dim3A_498, %scan3A_559 = %broadcast_in_dim3A_500, %scan3A_560 = %broadcast_in_dim3A_502, %scan3A_561 = %broadcast_in_dim3A_504, %scan3A_562 = %broadcast_in_dim3A_506, %scan3A_563 = %broadcast_in_dim3A_508) -> (vector<16xf32>, vector<16xf32>, vector<16xf32>, vector<16xf32>, vector<16xf32>, vector<16xf32>, vector<16xf32>, vector<16xf32>)  : i32 {
        %mul3A_564 = arith.constant 4 : i32
        %mul3A_565 = arith.muli %scan3A_555, %mul3A_564 : i32
        %add3A_566 = arith.constant 0 : i32
        %add3A_567 = arith.addi %mul3A_565, %add3A_566 : i32
        %get3A = arith.index_cast %add3A_567 : i32 to index
        %get3A_568 = arith.constant 0 : index
        %get3A_569 = tpu.vector_load %arg8[%get3A, %get3A_568] {strides = array<i32>} : memref<200x128xf32, #tpu.memory_space<vmem>>, vector<1x16xf32>,
        %get3A_570 = vector.shape_cast %get3A_569 : vector<1x16xf32> to vector<16xf32>
        %add3A_571 = arith.addf %scan3A_556, %get3A_570 : vector<16xf32>
        %add3A_572 = arith.constant 0 : i32
        %add3A_573 = arith.addi %mul3A_565, %add3A_572 : i32
        %get3A_574 = arith.index_cast %add3A_573 : i32 to index
        %get3A_575 = arith.constant 16 : index
        %get3A_576 = tpu.vector_load %arg8[%get3A_574, %get3A_575] {strides = array<i32>} : memref<200x128xf32, #tpu.memory_space<vmem>>, vector<1x16xf32>,
        %get3A_577 = vector.shape_cast %get3A_576 : vector<1x16xf32> to vector<16xf32>
        %add3A_578 = arith.addf %scan3A_557, %get3A_577 : vector<16xf32>
        %add3A_579 = arith.constant 0 : i32
        %add3A_580 = arith.addi %mul3A_565, %add3A_579 : i32
        %get3A_581 = arith.index_cast %add3A_580 : i32 to index
        %get3A_582 = arith.constant 32 : index
        %get3A_583 = tpu.vector_load %arg8[%get3A_581, %get3A_582] {strides = array<i32>} : memref<200x128xf32, #tpu.memory_space<vmem>>, vector<1x16xf32>,
        %get3A_584 = vector.shape_cast %get3A_583 : vector<1x16xf32> to vector<16xf32>
        %add3A_585 = arith.addf %scan3A_558, %get3A_584 : vector<16xf32>
        %add3A_586 = arith.constant 0 : i32
        %add3A_587 = arith.addi %mul3A_565, %add3A_586 : i32
        %get3A_588 = arith.index_cast %add3A_587 : i32 to index
        %get3A_589 = arith.constant 48 : index
        %get3A_590 = tpu.vector_load %arg8[%get3A_588, %get3A_589] {strides = array<i32>} : memref<200x128xf32, #tpu.memory_space<vmem>>, vector<1x16xf32>,
        %get3A_591 = vector.shape_cast %get3A_590 : vector<1x16xf32> to vector<16xf32>
        %add3A_592 = arith.addf %scan3A_559, %get3A_591 : vector<16xf32>
        %add3A_593 = arith.constant 0 : i32
        %add3A_594 = arith.addi %mul3A_565, %add3A_593 : i32
        %get3A_595 = arith.index_cast %add3A_594 : i32 to index
        %get3A_596 = arith.constant 64 : index
        %get3A_597 = tpu.vector_load %arg8[%get3A_595, %get3A_596] {strides = array<i32>} : memref<200x128xf32, #tpu.memory_space<vmem>>, vector<1x16xf32>,
        %get3A_598 = vector.shape_cast %get3A_597 : vector<1x16xf32> to vector<16xf32>
        %add3A_599 = arith.addf %scan3A_560, %get3A_598 : vector<16xf32>
        %add3A_600 = arith.constant 0 : i32
        %add3A_601 = arith.addi %mul3A_565, %add3A_600 : i32
        %get3A_602 = arith.index_cast %add3A_601 : i32 to index
        %get3A_603 = arith.constant 80 : index
        %get3A_604 = tpu.vector_load %arg8[%get3A_602, %get3A_603] {strides = array<i32>} : memref<200x128xf32, #tpu.memory_space<vmem>>, vector<1x16xf32>,
        %get3A_605 = vector.shape_cast %get3A_604 : vector<1x16xf32> to vector<16xf32>
        %add3A_606 = arith.addf %scan3A_561, %get3A_605 : vector<16xf32>
        %add3A_607 = arith.constant 0 : i32
        %add3A_608 = arith.addi %mul3A_565, %add3A_607 : i32
        %get3A_609 = arith.index_cast %add3A_608 : i32 to index
        %get3A_610 = arith.constant 96 : index
        %get3A_611 = tpu.vector_load %arg8[%get3A_609, %get3A_610] {strides = array<i32>} : memref<200x128xf32, #tpu.memory_space<vmem>>, vector<1x16xf32>,
        %get3A_612 = vector.shape_cast %get3A_611 : vector<1x16xf32> to vector<16xf32>
        %add3A_613 = arith.addf %scan3A_562, %get3A_612 : vector<16xf32>
        %add3A_614 = arith.constant 0 : i32
        %add3A_615 = arith.addi %mul3A_565, %add3A_614 : i32
        %get3A_616 = arith.index_cast %add3A_615 : i32 to index
        %get3A_617 = arith.constant 112 : index
        %get3A_618 = tpu.vector_load %arg8[%get3A_616, %get3A_617] {strides = array<i32>} : memref<200x128xf32, #tpu.memory_space<vmem>>, vector<1x16xf32>,
        %get3A_619 = vector.shape_cast %get3A_618 : vector<1x16xf32> to vector<16xf32>
        %add3A_620 = arith.addf %scan3A_563, %get3A_619 : vector<16xf32>
        %add3A_621 = arith.constant 1 : i32
        %add3A_622 = arith.addi %mul3A_565, %add3A_621 : i32
        %get3A_623 = arith.index_cast %add3A_622 : i32 to index
        %get3A_624 = arith.constant 0 : index
        %get3A_625 = tpu.vector_load %arg8[%get3A_623, %get3A_624] {strides = array<i32>} : memref<200x128xf32, #tpu.memory_space<vmem>>, vector<1x16xf32>,
        %get3A_626 = vector.shape_cast %get3A_625 : vector<1x16xf32> to vector<16xf32>
        %add3A_627 = arith.addf %add3A_571, %get3A_626 : vector<16xf32>
        %add3A_628 = arith.constant 1 : i32
        %add3A_629 = arith.addi %mul3A_565, %add3A_628 : i32
        %get3A_630 = arith.index_cast %add3A_629 : i32 to index
        %get3A_631 = arith.constant 16 : index
        %get3A_632 = tpu.vector_load %arg8[%get3A_630, %get3A_631] {strides = array<i32>} : memref<200x128xf32, #tpu.memory_space<vmem>>, vector<1x16xf32>,
        %get3A_633 = vector.shape_cast %get3A_632 : vector<1x16xf32> to vector<16xf32>
        %add3A_634 = arith.addf %add3A_578, %get3A_633 : vector<16xf32>
        %add3A_635 = arith.constant 1 : i32
        %add3A_636 = arith.addi %mul3A_565, %add3A_635 : i32
        %get3A_637 = arith.index_cast %add3A_636 : i32 to index
        %get3A_638 = arith.constant 32 : index
        %get3A_639 = tpu.vector_load %arg8[%get3A_637, %get3A_638] {strides = array<i32>} : memref<200x128xf32, #tpu.memory_space<vmem>>, vector<1x16xf32>,
        %get3A_640 = vector.shape_cast %get3A_639 : vector<1x16xf32> to vector<16xf32>
        %add3A_641 = arith.addf %add3A_585, %get3A_640 : vector<16xf32>
        %add3A_642 = arith.constant 1 : i32
        %add3A_643 = arith.addi %mul3A_565, %add3A_642 : i32
        %get3A_644 = arith.index_cast %add3A_643 : i32 to index
        %get3A_645 = arith.constant 48 : index
        %get3A_646 = tpu.vector_load %arg8[%get3A_644, %get3A_645] {strides = array<i32>} : memref<200x128xf32, #tpu.memory_space<vmem>>, vector<1x16xf32>,
        %get3A_647 = vector.shape_cast %get3A_646 : vector<1x16xf32> to vector<16xf32>
        %add3A_648 = arith.addf %add3A_592, %get3A_647 : vector<16xf32>
        %add3A_649 = arith.constant 1 : i32
        %add3A_650 = arith.addi %mul3A_565, %add3A_649 : i32
        %get3A_651 = arith.index_cast %add3A_650 : i32 to index
        %get3A_652 = arith.constant 64 : index
        %get3A_653 = tpu.vector_load %arg8[%get3A_651, %get3A_652] {strides = array<i32>} : memref<200x128xf32, #tpu.memory_space<vmem>>, vector<1x16xf32>,
        %get3A_654 = vector.shape_cast %get3A_653 : vector<1x16xf32> to vector<16xf32>
        %add3A_655 = arith.addf %add3A_599, %get3A_654 : vector<16xf32>
        %add3A_656 = arith.constant 1 : i32
        %add3A_657 = arith.addi %mul3A_565, %add3A_656 : i32
        %get3A_658 = arith.index_cast %add3A_657 : i32 to index
        %get3A_659 = arith.constant 80 : index
        %get3A_660 = tpu.vector_load %arg8[%get3A_658, %get3A_659] {strides = array<i32>} : memref<200x128xf32, #tpu.memory_space<vmem>>, vector<1x16xf32>,
        %get3A_661 = vector.shape_cast %get3A_660 : vector<1x16xf32> to vector<16xf32>
        %add3A_662 = arith.addf %add3A_606, %get3A_661 : vector<16xf32>
        %add3A_663 = arith.constant 1 : i32
        %add3A_664 = arith.addi %mul3A_565, %add3A_663 : i32
        %get3A_665 = arith.index_cast %add3A_664 : i32 to index
        %get3A_666 = arith.constant 96 : index
        %get3A_667 = tpu.vector_load %arg8[%get3A_665, %get3A_666] {strides = array<i32>} : memref<200x128xf32, #tpu.memory_space<vmem>>, vector<1x16xf32>,
        %get3A_668 = vector.shape_cast %get3A_667 : vector<1x16xf32> to vector<16xf32>
        %add3A_669 = arith.addf %add3A_613, %get3A_668 : vector<16xf32>
        %add3A_670 = arith.constant 1 : i32
        %add3A_671 = arith.addi %mul3A_565, %add3A_670 : i32
        %get3A_672 = arith.index_cast %add3A_671 : i32 to index
        %get3A_673 = arith.constant 112 : index
        %get3A_674 = tpu.vector_load %arg8[%get3A_672, %get3A_673] {strides = array<i32>} : memref<200x128xf32, #tpu.memory_space<vmem>>, vector<1x16xf32>,
        %get3A_675 = vector.shape_cast %get3A_674 : vector<1x16xf32> to vector<16xf32>
        %add3A_676 = arith.addf %add3A_620, %get3A_675 : vector<16xf32>
        %add3A_677 = arith.constant 2 : i32
        %add3A_678 = arith.addi %mul3A_565, %add3A_677 : i32
        %get3A_679 = arith.index_cast %add3A_678 : i32 to index
        %get3A_680 = arith.constant 0 : index
        %get3A_681 = tpu.vector_load %arg8[%get3A_679, %get3A_680] {strides = array<i32>} : memref<200x128xf32, #tpu.memory_space<vmem>>, vector<1x16xf32>,
        %get3A_682 = vector.shape_cast %get3A_681 : vector<1x16xf32> to vector<16xf32>
        %add3A_683 = arith.addf %add3A_627, %get3A_682 : vector<16xf32>
        %add3A_684 = arith.constant 2 : i32
        %add3A_685 = arith.addi %mul3A_565, %add3A_684 : i32
        %get3A_686 = arith.index_cast %add3A_685 : i32 to index
        %get3A_687 = arith.constant 16 : index
        %get3A_688 = tpu.vector_load %arg8[%get3A_686, %get3A_687] {strides = array<i32>} : memref<200x128xf32, #tpu.memory_space<vmem>>, vector<1x16xf32>,
        %get3A_689 = vector.shape_cast %get3A_688 : vector<1x16xf32> to vector<16xf32>
        %add3A_690 = arith.addf %add3A_634, %get3A_689 : vector<16xf32>
        %add3A_691 = arith.constant 2 : i32
        %add3A_692 = arith.addi %mul3A_565, %add3A_691 : i32
        %get3A_693 = arith.index_cast %add3A_692 : i32 to index
        %get3A_694 = arith.constant 32 : index
        %get3A_695 = tpu.vector_load %arg8[%get3A_693, %get3A_694] {strides = array<i32>} : memref<200x128xf32, #tpu.memory_space<vmem>>, vector<1x16xf32>,
        %get3A_696 = vector.shape_cast %get3A_695 : vector<1x16xf32> to vector<16xf32>
        %add3A_697 = arith.addf %add3A_641, %get3A_696 : vector<16xf32>
        %add3A_698 = arith.constant 2 : i32
        %add3A_699 = arith.addi %mul3A_565, %add3A_698 : i32
        %get3A_700 = arith.index_cast %add3A_699 : i32 to index
        %get3A_701 = arith.constant 48 : index
        %get3A_702 = tpu.vector_load %arg8[%get3A_700, %get3A_701] {strides = array<i32>} : memref<200x128xf32, #tpu.memory_space<vmem>>, vector<1x16xf32>,
        %get3A_703 = vector.shape_cast %get3A_702 : vector<1x16xf32> to vector<16xf32>
        %add3A_704 = arith.addf %add3A_648, %get3A_703 : vector<16xf32>
        %add3A_705 = arith.constant 2 : i32
        %add3A_706 = arith.addi %mul3A_565, %add3A_705 : i32
        %get3A_707 = arith.index_cast %add3A_706 : i32 to index
        %get3A_708 = arith.constant 64 : index
        %get3A_709 = tpu.vector_load %arg8[%get3A_707, %get3A_708] {strides = array<i32>} : memref<200x128xf32, #tpu.memory_space<vmem>>, vector<1x16xf32>,
        %get3A_710 = vector.shape_cast %get3A_709 : vector<1x16xf32> to vector<16xf32>
        %add3A_711 = arith.addf %add3A_655, %get3A_710 : vector<16xf32>
        %add3A_712 = arith.constant 2 : i32
        %add3A_713 = arith.addi %mul3A_565, %add3A_712 : i32
        %get3A_714 = arith.index_cast %add3A_713 : i32 to index
        %get3A_715 = arith.constant 80 : index
        %get3A_716 = tpu.vector_load %arg8[%get3A_714, %get3A_715] {strides = array<i32>} : memref<200x128xf32, #tpu.memory_space<vmem>>, vector<1x16xf32>,
        %get3A_717 = vector.shape_cast %get3A_716 : vector<1x16xf32> to vector<16xf32>
        %add3A_718 = arith.addf %add3A_662, %get3A_717 : vector<16xf32>
        %add3A_719 = arith.constant 2 : i32
        %add3A_720 = arith.addi %mul3A_565, %add3A_719 : i32
        %get3A_721 = arith.index_cast %add3A_720 : i32 to index
        %get3A_722 = arith.constant 96 : index
        %get3A_723 = tpu.vector_load %arg8[%get3A_721, %get3A_722] {strides = array<i32>} : memref<200x128xf32, #tpu.memory_space<vmem>>, vector<1x16xf32>,
        %get3A_724 = vector.shape_cast %get3A_723 : vector<1x16xf32> to vector<16xf32>
        %add3A_725 = arith.addf %add3A_669, %get3A_724 : vector<16xf32>
        %add3A_726 = arith.constant 2 : i32
        %add3A_727 = arith.addi %mul3A_565, %add3A_726 : i32
        %get3A_728 = arith.index_cast %add3A_727 : i32 to index
        %get3A_729 = arith.constant 112 : index
        %get3A_730 = tpu.vector_load %arg8[%get3A_728, %get3A_729] {strides = array<i32>} : memref<200x128xf32, #tpu.memory_space<vmem>>, vector<1x16xf32>,
        %get3A_731 = vector.shape_cast %get3A_730 : vector<1x16xf32> to vector<16xf32>
        %add3A_732 = arith.addf %add3A_676, %get3A_731 : vector<16xf32>
        %add3A_733 = arith.constant 3 : i32
        %add3A_734 = arith.addi %mul3A_565, %add3A_733 : i32
        %get3A_735 = arith.index_cast %add3A_734 : i32 to index
        %get3A_736 = arith.constant 0 : index
        %get3A_737 = tpu.vector_load %arg8[%get3A_735, %get3A_736] {strides = array<i32>} : memref<200x128xf32, #tpu.memory_space<vmem>>, vector<1x16xf32>,
        %get3A_738 = vector.shape_cast %get3A_737 : vector<1x16xf32> to vector<16xf32>
        %add3A_739 = arith.addf %add3A_683, %get3A_738 : vector<16xf32>
        %add3A_740 = arith.constant 3 : i32
        %add3A_741 = arith.addi %mul3A_565, %add3A_740 : i32
        %get3A_742 = arith.index_cast %add3A_741 : i32 to index
        %get3A_743 = arith.constant 16 : index
        %get3A_744 = tpu.vector_load %arg8[%get3A_742, %get3A_743] {strides = array<i32>} : memref<200x128xf32, #tpu.memory_space<vmem>>, vector<1x16xf32>,
        %get3A_745 = vector.shape_cast %get3A_744 : vector<1x16xf32> to vector<16xf32>
        %add3A_746 = arith.addf %add3A_690, %get3A_745 : vector<16xf32>
        %add3A_747 = arith.constant 3 : i32
        %add3A_748 = arith.addi %mul3A_565, %add3A_747 : i32
        %get3A_749 = arith.index_cast %add3A_748 : i32 to index
        %get3A_750 = arith.constant 32 : index
        %get3A_751 = tpu.vector_load %arg8[%get3A_749, %get3A_750] {strides = array<i32>} : memref<200x128xf32, #tpu.memory_space<vmem>>, vector<1x16xf32>,
        %get3A_752 = vector.shape_cast %get3A_751 : vector<1x16xf32> to vector<16xf32>
        %add3A_753 = arith.addf %add3A_697, %get3A_752 : vector<16xf32>
        %add3A_754 = arith.constant 3 : i32
        %add3A_755 = arith.addi %mul3A_565, %add3A_754 : i32
        %get3A_756 = arith.index_cast %add3A_755 : i32 to index
        %get3A_757 = arith.constant 48 : index
        %get3A_758 = tpu.vector_load %arg8[%get3A_756, %get3A_757] {strides = array<i32>} : memref<200x128xf32, #tpu.memory_space<vmem>>, vector<1x16xf32>,
        %get3A_759 = vector.shape_cast %get3A_758 : vector<1x16xf32> to vector<16xf32>
        %add3A_760 = arith.addf %add3A_704, %get3A_759 : vector<16xf32>
        %add3A_761 = arith.constant 3 : i32
        %add3A_762 = arith.addi %mul3A_565, %add3A_761 : i32
        %get3A_763 = arith.index_cast %add3A_762 : i32 to index
        %get3A_764 = arith.constant 64 : index
        %get3A_765 = tpu.vector_load %arg8[%get3A_763, %get3A_764] {strides = array<i32>} : memref<200x128xf32, #tpu.memory_space<vmem>>, vector<1x16xf32>,
        %get3A_766 = vector.shape_cast %get3A_765 : vector<1x16xf32> to vector<16xf32>
        %add3A_767 = arith.addf %add3A_711, %get3A_766 : vector<16xf32>
        %add3A_768 = arith.constant 3 : i32
        %add3A_769 = arith.addi %mul3A_565, %add3A_768 : i32
        %get3A_770 = arith.index_cast %add3A_769 : i32 to index
        %get3A_771 = arith.constant 80 : index
        %get3A_772 = tpu.vector_load %arg8[%get3A_770, %get3A_771] {strides = array<i32>} : memref<200x128xf32, #tpu.memory_space<vmem>>, vector<1x16xf32>,
        %get3A_773 = vector.shape_cast %get3A_772 : vector<1x16xf32> to vector<16xf32>
        %add3A_774 = arith.addf %add3A_718, %get3A_773 : vector<16xf32>
        %add3A_775 = arith.constant 3 : i32
        %add3A_776 = arith.addi %mul3A_565, %add3A_775 : i32
        %get3A_777 = arith.index_cast %add3A_776 : i32 to index
        %get3A_778 = arith.constant 96 : index
        %get3A_779 = tpu.vector_load %arg8[%get3A_777, %get3A_778] {strides = array<i32>} : memref<200x128xf32, #tpu.memory_space<vmem>>, vector<1x16xf32>,
        %get3A_780 = vector.shape_cast %get3A_779 : vector<1x16xf32> to vector<16xf32>
        %add3A_781 = arith.addf %add3A_725, %get3A_780 : vector<16xf32>
        %add3A_782 = arith.constant 3 : i32
        %add3A_783 = arith.addi %mul3A_565, %add3A_782 : i32
        %get3A_784 = arith.index_cast %add3A_783 : i32 to index
        %get3A_785 = arith.constant 112 : index
        %get3A_786 = tpu.vector_load %arg8[%get3A_784, %get3A_785] {strides = array<i32>} : memref<200x128xf32, #tpu.memory_space<vmem>>, vector<1x16xf32>,
        %get3A_787 = vector.shape_cast %get3A_786 : vector<1x16xf32> to vector<16xf32>
        %add3A_788 = arith.addf %add3A_732, %get3A_787 : vector<16xf32>
        scf.yield %add3A_739, %add3A_746, %add3A_753, %add3A_760, %add3A_767, %add3A_774, %add3A_781, %add3A_788 : vector<16xf32>, vector<16xf32>, vector<16xf32>, vector<16xf32>, vector<16xf32>, vector<16xf32>, vector<16xf32>, vector<16xf32>
      }
      %scan3A_514 = arith.constant 50 : i32
      %swap3A_515 = arith.index_cast %add3A_446 : i32 to index
      %swap3A_516 = arith.constant 0 : index
      %swap3A_517 = tpu.vector_load %arg9[%swap3A_515, %swap3A_516] {strides = array<i32>} : memref<128x128xf32, #tpu.memory_space<vmem>>, vector<1x16xf32>,
      %swap3A_518 = vector.shape_cast %swap3A_517 : vector<1x16xf32> to vector<16xf32>
      %swap3A_519 = vector.shape_cast %scan3A_513#0 : vector<16xf32> to vector<1x16xf32>
      tpu.vector_store %arg9[%swap3A_515, %swap3A_516], %swap3A_519 {strides = array<i32>} : memref<128x128xf32, #tpu.memory_space<vmem>>, vector<1x16xf32>,
      %swap3A_520 = arith.index_cast %add3A_446 : i32 to index
      %swap3A_521 = arith.constant 16 : index
      %swap3A_522 = tpu.vector_load %arg9[%swap3A_520, %swap3A_521] {strides = array<i32>} : memref<128x128xf32, #tpu.memory_space<vmem>>, vector<1x16xf32>,
      %swap3A_523 = vector.shape_cast %swap3A_522 : vector<1x16xf32> to vector<16xf32>
      %swap3A_524 = vector.shape_cast %scan3A_513#1 : vector<16xf32> to vector<1x16xf32>
      tpu.vector_store %arg9[%swap3A_520, %swap3A_521], %swap3A_524 {strides = array<i32>} : memref<128x128xf32, #tpu.memory_space<vmem>>, vector<1x16xf32>,
      %swap3A_525 = arith.index_cast %add3A_446 : i32 to index
      %swap3A_526 = arith.constant 32 : index
      %swap3A_527 = tpu.vector_load %arg9[%swap3A_525, %swap3A_526] {strides = array<i32>} : memref<128x128xf32, #tpu.memory_space<vmem>>, vector<1x16xf32>,
      %swap3A_528 = vector.shape_cast %swap3A_527 : vector<1x16xf32> to vector<16xf32>
      %swap3A_529 = vector.shape_cast %scan3A_513#2 : vector<16xf32> to vector<1x16xf32>
      tpu.vector_store %arg9[%swap3A_525, %swap3A_526], %swap3A_529 {strides = array<i32>} : memref<128x128xf32, #tpu.memory_space<vmem>>, vector<1x16xf32>,
      %swap3A_530 = arith.index_cast %add3A_446 : i32 to index
      %swap3A_531 = arith.constant 48 : index
      %swap3A_532 = tpu.vector_load %arg9[%swap3A_530, %swap3A_531] {strides = array<i32>} : memref<128x128xf32, #tpu.memory_space<vmem>>, vector<1x16xf32>,
      %swap3A_533 = vector.shape_cast %swap3A_532 : vector<1x16xf32> to vector<16xf32>
      %swap3A_534 = vector.shape_cast %scan3A_513#3 : vector<16xf32> to vector<1x16xf32>
      tpu.vector_store %arg9[%swap3A_530, %swap3A_531], %swap3A_534 {strides = array<i32>} : memref<128x128xf32, #tpu.memory_space<vmem>>, vector<1x16xf32>,
      %swap3A_535 = arith.index_cast %add3A_446 : i32 to index
      %swap3A_536 = arith.constant 64 : index
      %swap3A_537 = tpu.vector_load %arg9[%swap3A_535, %swap3A_536] {strides = array<i32>} : memref<128x128xf32, #tpu.memory_space<vmem>>, vector<1x16xf32>,
      %swap3A_538 = vector.shape_cast %swap3A_537 : vector<1x16xf32> to vector<16xf32>
      %swap3A_539 = vector.shape_cast %scan3A_513#4 : vector<16xf32> to vector<1x16xf32>
      tpu.vector_store %arg9[%swap3A_535, %swap3A_536], %swap3A_539 {strides = array<i32>} : memref<128x128xf32, #tpu.memory_space<vmem>>, vector<1x16xf32>,
      %swap3A_540 = arith.index_cast %add3A_446 : i32 to index
      %swap3A_541 = arith.constant 80 : index
      %swap3A_542 = tpu.vector_load %arg9[%swap3A_540, %swap3A_541] {strides = array<i32>} : memref<128x128xf32, #tpu.memory_space<vmem>>, vector<1x16xf32>,
      %swap3A_543 = vector.shape_cast %swap3A_542 : vector<1x16xf32> to vector<16xf32>
      %swap3A_544 = vector.shape_cast %scan3A_513#5 : vector<16xf32> to vector<1x16xf32>
      tpu.vector_store %arg9[%swap3A_540, %swap3A_541], %swap3A_544 {strides = array<i32>} : memref<128x128xf32, #tpu.memory_space<vmem>>, vector<1x16xf32>,
      %swap3A_545 = arith.index_cast %add3A_446 : i32 to index
      %swap3A_546 = arith.constant 96 : index
      %swap3A_547 = tpu.vector_load %arg9[%swap3A_545, %swap3A_546] {strides = array<i32>} : memref<128x128xf32, #tpu.memory_space<vmem>>, vector<1x16xf32>,
      %swap3A_548 = vector.shape_cast %swap3A_547 : vector<1x16xf32> to vector<16xf32>
      %swap3A_549 = vector.shape_cast %scan3A_513#6 : vector<16xf32> to vector<1x16xf32>
      tpu.vector_store %arg9[%swap3A_545, %swap3A_546], %swap3A_549 {strides = array<i32>} : memref<128x128xf32, #tpu.memory_space<vmem>>, vector<1x16xf32>,
      %swap3A_550 = arith.index_cast %add3A_446 : i32 to index
      %swap3A_551 = arith.constant 112 : index
      %swap3A_552 = tpu.vector_load %arg9[%swap3A_550, %swap3A_551] {strides = array<i32>} : memref<128x128xf32, #tpu.memory_space<vmem>>, vector<1x16xf32>,
      %swap3A_553 = vector.shape_cast %swap3A_552 : vector<1x16xf32> to vector<16xf32>
      %swap3A_554 = vector.shape_cast %scan3A_513#7 : vector<16xf32> to vector<1x16xf32>
      tpu.vector_store %arg9[%swap3A_550, %swap3A_551], %swap3A_554 {strides = array<i32>} : memref<128x128xf32, #tpu.memory_space<vmem>>, vector<1x16xf32>,
    }
    %scan3A_44 = arith.constant 42 : i32
    %multiple_of3A_45 = arith.constant 25200 : i32
    %multiple_of3A_46 = tpu.assume_multiple %multiple_of3A_45, 8 : i32
    %multiple_of3A_47 = arith.constant 25304 : i32
    %multiple_of3A_48 = tpu.assume_multiple %multiple_of3A_47, 8 : i32
    %dma_wait3A = arith.constant 0 : i32
    %dma_wait3A_49 = arith.constant 0 : i32
    %dma_wait3A_50 = tpu.memref_slice %arg6[%dma_wait3A, %dma_wait3A_49] : memref<200x128xf32, #tpu.memory_space<vmem>> -> memref<104x128xf32, #tpu.memory_space<vmem>>
    %dma_wait3A_51 = tpu.memref_slice %arg5[%multiple_of3A_46] : memref<25600xi32, #tpu.memory_space<vmem>> -> memref<104xi32, #tpu.memory_space<vmem>>
    %dma_wait3A_52 = arith.constant 0 : i32
    %dma_wait3A_53 = arith.constant 0 : i32
    %dma_wait3A_54 = tpu.memref_slice %arg3[%dma_wait3A_52, %dma_wait3A_53] : memref<1000000x128xf32, #tpu.memory_space<hbm>> -> memref<1000000x128xf32, #tpu.memory_space<hbm>>
    tpu.wait_indirect_dma semaphore(%arg10 : memref<!tpu.dma_semaphore, #tpu.memory_space<semaphore_mem>>) src(%dma_wait3A_54 : memref<1000000x128xf32, #tpu.memory_space<hbm>>) dst(%dma_wait3A_50 : memref<104x128xf32, #tpu.memory_space<vmem>>)
    %dma_wait3A_55 = arith.constant 104 : i32
    %dma_wait3A_56 = arith.constant 0 : i32
    %dma_wait3A_57 = tpu.memref_slice %arg6[%dma_wait3A_55, %dma_wait3A_56] : memref<200x128xf32, #tpu.memory_space<vmem>> -> memref<96x128xf32, #tpu.memory_space<vmem>>
    %dma_wait3A_58 = tpu.memref_slice %arg5[%multiple_of3A_48] : memref<25600xi32, #tpu.memory_space<vmem>> -> memref<96xi32, #tpu.memory_space<vmem>>
    %dma_wait3A_59 = arith.constant 0 : i32
    %dma_wait3A_60 = arith.constant 0 : i32
    %dma_wait3A_61 = tpu.memref_slice %arg3[%dma_wait3A_59, %dma_wait3A_60] : memref<1000000x128xf32, #tpu.memory_space<hbm>> -> memref<1000000x128xf32, #tpu.memory_space<hbm>>
    tpu.wait_indirect_dma semaphore(%arg10 : memref<!tpu.dma_semaphore, #tpu.memory_space<semaphore_mem>>) src(%dma_wait3A_61 : memref<1000000x128xf32, #tpu.memory_space<hbm>>) dst(%dma_wait3A_57 : memref<96x128xf32, #tpu.memory_space<vmem>>)
    %broadcast_in_dim3A = arith.constant 0.000000e+00 : f32
    %broadcast_in_dim3A_62 = vector.broadcast %broadcast_in_dim3A : f32 to vector<16xf32>
    %broadcast_in_dim3A_63 = arith.constant 0.000000e+00 : f32
    %broadcast_in_dim3A_64 = vector.broadcast %broadcast_in_dim3A_63 : f32 to vector<16xf32>
    %broadcast_in_dim3A_65 = arith.constant 0.000000e+00 : f32
    %broadcast_in_dim3A_66 = vector.broadcast %broadcast_in_dim3A_65 : f32 to vector<16xf32>
    %broadcast_in_dim3A_67 = arith.constant 0.000000e+00 : f32
    %broadcast_in_dim3A_68 = vector.broadcast %broadcast_in_dim3A_67 : f32 to vector<16xf32>
    %broadcast_in_dim3A_69 = arith.constant 0.000000e+00 : f32
    %broadcast_in_dim3A_70 = vector.broadcast %broadcast_in_dim3A_69 : f32 to vector<16xf32>
    %broadcast_in_dim3A_71 = arith.constant 0.000000e+00 : f32
    %broadcast_in_dim3A_72 = vector.broadcast %broadcast_in_dim3A_71 : f32 to vector<16xf32>
    %broadcast_in_dim3A_73 = arith.constant 0.000000e+00 : f32
    %broadcast_in_dim3A_74 = vector.broadcast %broadcast_in_dim3A_73 : f32 to vector<16xf32>
    %broadcast_in_dim3A_75 = arith.constant 0.000000e+00 : f32
    %broadcast_in_dim3A_76 = vector.broadcast %broadcast_in_dim3A_75 : f32 to vector<16xf32>
    %scan3A_77 = arith.constant 0 : i32
    %scan3A_78 = arith.constant 50 : i32
    %scan3A_79 = arith.addi %scan3A_77, %scan3A_78 : i32
    %scan3A_80 = arith.constant 1 : i32
    %scan3A_81:8 = scf.for %scan3A_218 = %scan3A_77 to %scan3A_79 step %scan3A_80 iter_args(%scan3A_219 = %broadcast_in_dim3A_62, %scan3A_220 = %broadcast_in_dim3A_64, %scan3A_221 = %broadcast_in_dim3A_66, %scan3A_222 = %broadcast_in_dim3A_68, %scan3A_223 = %broadcast_in_dim3A_70, %scan3A_224 = %broadcast_in_dim3A_72, %scan3A_225 = %broadcast_in_dim3A_74, %scan3A_226 = %broadcast_in_dim3A_76) -> (vector<16xf32>, vector<16xf32>, vector<16xf32>, vector<16xf32>, vector<16xf32>, vector<16xf32>, vector<16xf32>, vector<16xf32>)  : i32 {
      %mul3A_227 = arith.constant 4 : i32
      %mul3A_228 = arith.muli %scan3A_218, %mul3A_227 : i32
      %add3A_229 = arith.constant 0 : i32
      %add3A_230 = arith.addi %mul3A_228, %add3A_229 : i32
      %get3A = arith.index_cast %add3A_230 : i32 to index
      %get3A_231 = arith.constant 0 : index
      %get3A_232 = tpu.vector_load %arg6[%get3A, %get3A_231] {strides = array<i32>} : memref<200x128xf32, #tpu.memory_space<vmem>>, vector<1x16xf32>,
      %get3A_233 = vector.shape_cast %get3A_232 : vector<1x16xf32> to vector<16xf32>
      %add3A_234 = arith.addf %scan3A_219, %get3A_233 : vector<16xf32>
      %add3A_235 = arith.constant 0 : i32
      %add3A_236 = arith.addi %mul3A_228, %add3A_235 : i32
      %get3A_237 = arith.index_cast %add3A_236 : i32 to index
      %get3A_238 = arith.constant 16 : index
      %get3A_239 = tpu.vector_load %arg6[%get3A_237, %get3A_238] {strides = array<i32>} : memref<200x128xf32, #tpu.memory_space<vmem>>, vector<1x16xf32>,
      %get3A_240 = vector.shape_cast %get3A_239 : vector<1x16xf32> to vector<16xf32>
      %add3A_241 = arith.addf %scan3A_220, %get3A_240 : vector<16xf32>
      %add3A_242 = arith.constant 0 : i32
      %add3A_243 = arith.addi %mul3A_228, %add3A_242 : i32
      %get3A_244 = arith.index_cast %add3A_243 : i32 to index
      %get3A_245 = arith.constant 32 : index
      %get3A_246 = tpu.vector_load %arg6[%get3A_244, %get3A_245] {strides = array<i32>} : memref<200x128xf32, #tpu.memory_space<vmem>>, vector<1x16xf32>,
      %get3A_247 = vector.shape_cast %get3A_246 : vector<1x16xf32> to vector<16xf32>
      %add3A_248 = arith.addf %scan3A_221, %get3A_247 : vector<16xf32>
      %add3A_249 = arith.constant 0 : i32
      %add3A_250 = arith.addi %mul3A_228, %add3A_249 : i32
      %get3A_251 = arith.index_cast %add3A_250 : i32 to index
      %get3A_252 = arith.constant 48 : index
      %get3A_253 = tpu.vector_load %arg6[%get3A_251, %get3A_252] {strides = array<i32>} : memref<200x128xf32, #tpu.memory_space<vmem>>, vector<1x16xf32>,
      %get3A_254 = vector.shape_cast %get3A_253 : vector<1x16xf32> to vector<16xf32>
      %add3A_255 = arith.addf %scan3A_222, %get3A_254 : vector<16xf32>
      %add3A_256 = arith.constant 0 : i32
      %add3A_257 = arith.addi %mul3A_228, %add3A_256 : i32
      %get3A_258 = arith.index_cast %add3A_257 : i32 to index
      %get3A_259 = arith.constant 64 : index
      %get3A_260 = tpu.vector_load %arg6[%get3A_258, %get3A_259] {strides = array<i32>} : memref<200x128xf32, #tpu.memory_space<vmem>>, vector<1x16xf32>,
      %get3A_261 = vector.shape_cast %get3A_260 : vector<1x16xf32> to vector<16xf32>
      %add3A_262 = arith.addf %scan3A_223, %get3A_261 : vector<16xf32>
      %add3A_263 = arith.constant 0 : i32
      %add3A_264 = arith.addi %mul3A_228, %add3A_263 : i32
      %get3A_265 = arith.index_cast %add3A_264 : i32 to index
      %get3A_266 = arith.constant 80 : index
      %get3A_267 = tpu.vector_load %arg6[%get3A_265, %get3A_266] {strides = array<i32>} : memref<200x128xf32, #tpu.memory_space<vmem>>, vector<1x16xf32>,
      %get3A_268 = vector.shape_cast %get3A_267 : vector<1x16xf32> to vector<16xf32>
      %add3A_269 = arith.addf %scan3A_224, %get3A_268 : vector<16xf32>
      %add3A_270 = arith.constant 0 : i32
      %add3A_271 = arith.addi %mul3A_228, %add3A_270 : i32
      %get3A_272 = arith.index_cast %add3A_271 : i32 to index
      %get3A_273 = arith.constant 96 : index
      %get3A_274 = tpu.vector_load %arg6[%get3A_272, %get3A_273] {strides = array<i32>} : memref<200x128xf32, #tpu.memory_space<vmem>>, vector<1x16xf32>,
      %get3A_275 = vector.shape_cast %get3A_274 : vector<1x16xf32> to vector<16xf32>
      %add3A_276 = arith.addf %scan3A_225, %get3A_275 : vector<16xf32>
      %add3A_277 = arith.constant 0 : i32
      %add3A_278 = arith.addi %mul3A_228, %add3A_277 : i32
      %get3A_279 = arith.index_cast %add3A_278 : i32 to index
      %get3A_280 = arith.constant 112 : index
      %get3A_281 = tpu.vector_load %arg6[%get3A_279, %get3A_280] {strides = array<i32>} : memref<200x128xf32, #tpu.memory_space<vmem>>, vector<1x16xf32>,
      %get3A_282 = vector.shape_cast %get3A_281 : vector<1x16xf32> to vector<16xf32>
      %add3A_283 = arith.addf %scan3A_226, %get3A_282 : vector<16xf32>
      %add3A_284 = arith.constant 1 : i32
      %add3A_285 = arith.addi %mul3A_228, %add3A_284 : i32
      %get3A_286 = arith.index_cast %add3A_285 : i32 to index
      %get3A_287 = arith.constant 0 : index
      %get3A_288 = tpu.vector_load %arg6[%get3A_286, %get3A_287] {strides = array<i32>} : memref<200x128xf32, #tpu.memory_space<vmem>>, vector<1x16xf32>,
      %get3A_289 = vector.shape_cast %get3A_288 : vector<1x16xf32> to vector<16xf32>
      %add3A_290 = arith.addf %add3A_234, %get3A_289 : vector<16xf32>
      %add3A_291 = arith.constant 1 : i32
      %add3A_292 = arith.addi %mul3A_228, %add3A_291 : i32
      %get3A_293 = arith.index_cast %add3A_292 : i32 to index
      %get3A_294 = arith.constant 16 : index
      %get3A_295 = tpu.vector_load %arg6[%get3A_293, %get3A_294] {strides = array<i32>} : memref<200x128xf32, #tpu.memory_space<vmem>>, vector<1x16xf32>,
      %get3A_296 = vector.shape_cast %get3A_295 : vector<1x16xf32> to vector<16xf32>
      %add3A_297 = arith.addf %add3A_241, %get3A_296 : vector<16xf32>
      %add3A_298 = arith.constant 1 : i32
      %add3A_299 = arith.addi %mul3A_228, %add3A_298 : i32
      %get3A_300 = arith.index_cast %add3A_299 : i32 to index
      %get3A_301 = arith.constant 32 : index
      %get3A_302 = tpu.vector_load %arg6[%get3A_300, %get3A_301] {strides = array<i32>} : memref<200x128xf32, #tpu.memory_space<vmem>>, vector<1x16xf32>,
      %get3A_303 = vector.shape_cast %get3A_302 : vector<1x16xf32> to vector<16xf32>
      %add3A_304 = arith.addf %add3A_248, %get3A_303 : vector<16xf32>
      %add3A_305 = arith.constant 1 : i32
      %add3A_306 = arith.addi %mul3A_228, %add3A_305 : i32
      %get3A_307 = arith.index_cast %add3A_306 : i32 to index
      %get3A_308 = arith.constant 48 : index
      %get3A_309 = tpu.vector_load %arg6[%get3A_307, %get3A_308] {strides = array<i32>} : memref<200x128xf32, #tpu.memory_space<vmem>>, vector<1x16xf32>,
      %get3A_310 = vector.shape_cast %get3A_309 : vector<1x16xf32> to vector<16xf32>
      %add3A_311 = arith.addf %add3A_255, %get3A_310 : vector<16xf32>
      %add3A_312 = arith.constant 1 : i32
      %add3A_313 = arith.addi %mul3A_228, %add3A_312 : i32
      %get3A_314 = arith.index_cast %add3A_313 : i32 to index
      %get3A_315 = arith.constant 64 : index
      %get3A_316 = tpu.vector_load %arg6[%get3A_314, %get3A_315] {strides = array<i32>} : memref<200x128xf32, #tpu.memory_space<vmem>>, vector<1x16xf32>,
      %get3A_317 = vector.shape_cast %get3A_316 : vector<1x16xf32> to vector<16xf32>
      %add3A_318 = arith.addf %add3A_262, %get3A_317 : vector<16xf32>
      %add3A_319 = arith.constant 1 : i32
      %add3A_320 = arith.addi %mul3A_228, %add3A_319 : i32
      %get3A_321 = arith.index_cast %add3A_320 : i32 to index
      %get3A_322 = arith.constant 80 : index
      %get3A_323 = tpu.vector_load %arg6[%get3A_321, %get3A_322] {strides = array<i32>} : memref<200x128xf32, #tpu.memory_space<vmem>>, vector<1x16xf32>,
      %get3A_324 = vector.shape_cast %get3A_323 : vector<1x16xf32> to vector<16xf32>
      %add3A_325 = arith.addf %add3A_269, %get3A_324 : vector<16xf32>
      %add3A_326 = arith.constant 1 : i32
      %add3A_327 = arith.addi %mul3A_228, %add3A_326 : i32
      %get3A_328 = arith.index_cast %add3A_327 : i32 to index
      %get3A_329 = arith.constant 96 : index
      %get3A_330 = tpu.vector_load %arg6[%get3A_328, %get3A_329] {strides = array<i32>} : memref<200x128xf32, #tpu.memory_space<vmem>>, vector<1x16xf32>,
      %get3A_331 = vector.shape_cast %get3A_330 : vector<1x16xf32> to vector<16xf32>
      %add3A_332 = arith.addf %add3A_276, %get3A_331 : vector<16xf32>
      %add3A_333 = arith.constant 1 : i32
      %add3A_334 = arith.addi %mul3A_228, %add3A_333 : i32
      %get3A_335 = arith.index_cast %add3A_334 : i32 to index
      %get3A_336 = arith.constant 112 : index
      %get3A_337 = tpu.vector_load %arg6[%get3A_335, %get3A_336] {strides = array<i32>} : memref<200x128xf32, #tpu.memory_space<vmem>>, vector<1x16xf32>,
      %get3A_338 = vector.shape_cast %get3A_337 : vector<1x16xf32> to vector<16xf32>
      %add3A_339 = arith.addf %add3A_283, %get3A_338 : vector<16xf32>
      %add3A_340 = arith.constant 2 : i32
      %add3A_341 = arith.addi %mul3A_228, %add3A_340 : i32
      %get3A_342 = arith.index_cast %add3A_341 : i32 to index
      %get3A_343 = arith.constant 0 : index
      %get3A_344 = tpu.vector_load %arg6[%get3A_342, %get3A_343] {strides = array<i32>} : memref<200x128xf32, #tpu.memory_space<vmem>>, vector<1x16xf32>,
      %get3A_345 = vector.shape_cast %get3A_344 : vector<1x16xf32> to vector<16xf32>
      %add3A_346 = arith.addf %add3A_290, %get3A_345 : vector<16xf32>
      %add3A_347 = arith.constant 2 : i32
      %add3A_348 = arith.addi %mul3A_228, %add3A_347 : i32
      %get3A_349 = arith.index_cast %add3A_348 : i32 to index
      %get3A_350 = arith.constant 16 : index
      %get3A_351 = tpu.vector_load %arg6[%get3A_349, %get3A_350] {strides = array<i32>} : memref<200x128xf32, #tpu.memory_space<vmem>>, vector<1x16xf32>,
      %get3A_352 = vector.shape_cast %get3A_351 : vector<1x16xf32> to vector<16xf32>
      %add3A_353 = arith.addf %add3A_297, %get3A_352 : vector<16xf32>
      %add3A_354 = arith.constant 2 : i32
      %add3A_355 = arith.addi %mul3A_228, %add3A_354 : i32
      %get3A_356 = arith.index_cast %add3A_355 : i32 to index
      %get3A_357 = arith.constant 32 : index
      %get3A_358 = tpu.vector_load %arg6[%get3A_356, %get3A_357] {strides = array<i32>} : memref<200x128xf32, #tpu.memory_space<vmem>>, vector<1x16xf32>,
      %get3A_359 = vector.shape_cast %get3A_358 : vector<1x16xf32> to vector<16xf32>
      %add3A_360 = arith.addf %add3A_304, %get3A_359 : vector<16xf32>
      %add3A_361 = arith.constant 2 : i32
      %add3A_362 = arith.addi %mul3A_228, %add3A_361 : i32
      %get3A_363 = arith.index_cast %add3A_362 : i32 to index
      %get3A_364 = arith.constant 48 : index
      %get3A_365 = tpu.vector_load %arg6[%get3A_363, %get3A_364] {strides = array<i32>} : memref<200x128xf32, #tpu.memory_space<vmem>>, vector<1x16xf32>,
      %get3A_366 = vector.shape_cast %get3A_365 : vector<1x16xf32> to vector<16xf32>
      %add3A_367 = arith.addf %add3A_311, %get3A_366 : vector<16xf32>
      %add3A_368 = arith.constant 2 : i32
      %add3A_369 = arith.addi %mul3A_228, %add3A_368 : i32
      %get3A_370 = arith.index_cast %add3A_369 : i32 to index
      %get3A_371 = arith.constant 64 : index
      %get3A_372 = tpu.vector_load %arg6[%get3A_370, %get3A_371] {strides = array<i32>} : memref<200x128xf32, #tpu.memory_space<vmem>>, vector<1x16xf32>,
      %get3A_373 = vector.shape_cast %get3A_372 : vector<1x16xf32> to vector<16xf32>
      %add3A_374 = arith.addf %add3A_318, %get3A_373 : vector<16xf32>
      %add3A_375 = arith.constant 2 : i32
      %add3A_376 = arith.addi %mul3A_228, %add3A_375 : i32
      %get3A_377 = arith.index_cast %add3A_376 : i32 to index
      %get3A_378 = arith.constant 80 : index
      %get3A_379 = tpu.vector_load %arg6[%get3A_377, %get3A_378] {strides = array<i32>} : memref<200x128xf32, #tpu.memory_space<vmem>>, vector<1x16xf32>,
      %get3A_380 = vector.shape_cast %get3A_379 : vector<1x16xf32> to vector<16xf32>
      %add3A_381 = arith.addf %add3A_325, %get3A_380 : vector<16xf32>
      %add3A_382 = arith.constant 2 : i32
      %add3A_383 = arith.addi %mul3A_228, %add3A_382 : i32
      %get3A_384 = arith.index_cast %add3A_383 : i32 to index
      %get3A_385 = arith.constant 96 : index
      %get3A_386 = tpu.vector_load %arg6[%get3A_384, %get3A_385] {strides = array<i32>} : memref<200x128xf32, #tpu.memory_space<vmem>>, vector<1x16xf32>,
      %get3A_387 = vector.shape_cast %get3A_386 : vector<1x16xf32> to vector<16xf32>
      %add3A_388 = arith.addf %add3A_332, %get3A_387 : vector<16xf32>
      %add3A_389 = arith.constant 2 : i32
      %add3A_390 = arith.addi %mul3A_228, %add3A_389 : i32
      %get3A_391 = arith.index_cast %add3A_390 : i32 to index
      %get3A_392 = arith.constant 112 : index
      %get3A_393 = tpu.vector_load %arg6[%get3A_391, %get3A_392] {strides = array<i32>} : memref<200x128xf32, #tpu.memory_space<vmem>>, vector<1x16xf32>,
      %get3A_394 = vector.shape_cast %get3A_393 : vector<1x16xf32> to vector<16xf32>
      %add3A_395 = arith.addf %add3A_339, %get3A_394 : vector<16xf32>
      %add3A_396 = arith.constant 3 : i32
      %add3A_397 = arith.addi %mul3A_228, %add3A_396 : i32
      %get3A_398 = arith.index_cast %add3A_397 : i32 to index
      %get3A_399 = arith.constant 0 : index
      %get3A_400 = tpu.vector_load %arg6[%get3A_398, %get3A_399] {strides = array<i32>} : memref<200x128xf32, #tpu.memory_space<vmem>>, vector<1x16xf32>,
      %get3A_401 = vector.shape_cast %get3A_400 : vector<1x16xf32> to vector<16xf32>
      %add3A_402 = arith.addf %add3A_346, %get3A_401 : vector<16xf32>
      %add3A_403 = arith.constant 3 : i32
      %add3A_404 = arith.addi %mul3A_228, %add3A_403 : i32
      %get3A_405 = arith.index_cast %add3A_404 : i32 to index
      %get3A_406 = arith.constant 16 : index
      %get3A_407 = tpu.vector_load %arg6[%get3A_405, %get3A_406] {strides = array<i32>} : memref<200x128xf32, #tpu.memory_space<vmem>>, vector<1x16xf32>,
      %get3A_408 = vector.shape_cast %get3A_407 : vector<1x16xf32> to vector<16xf32>
      %add3A_409 = arith.addf %add3A_353, %get3A_408 : vector<16xf32>
      %add3A_410 = arith.constant 3 : i32
      %add3A_411 = arith.addi %mul3A_228, %add3A_410 : i32
      %get3A_412 = arith.index_cast %add3A_411 : i32 to index
      %get3A_413 = arith.constant 32 : index
      %get3A_414 = tpu.vector_load %arg6[%get3A_412, %get3A_413] {strides = array<i32>} : memref<200x128xf32, #tpu.memory_space<vmem>>, vector<1x16xf32>,
      %get3A_415 = vector.shape_cast %get3A_414 : vector<1x16xf32> to vector<16xf32>
      %add3A_416 = arith.addf %add3A_360, %get3A_415 : vector<16xf32>
      %add3A_417 = arith.constant 3 : i32
      %add3A_418 = arith.addi %mul3A_228, %add3A_417 : i32
      %get3A_419 = arith.index_cast %add3A_418 : i32 to index
      %get3A_420 = arith.constant 48 : index
      %get3A_421 = tpu.vector_load %arg6[%get3A_419, %get3A_420] {strides = array<i32>} : memref<200x128xf32, #tpu.memory_space<vmem>>, vector<1x16xf32>,
      %get3A_422 = vector.shape_cast %get3A_421 : vector<1x16xf32> to vector<16xf32>
      %add3A_423 = arith.addf %add3A_367, %get3A_422 : vector<16xf32>
      %add3A_424 = arith.constant 3 : i32
      %add3A_425 = arith.addi %mul3A_228, %add3A_424 : i32
      %get3A_426 = arith.index_cast %add3A_425 : i32 to index
      %get3A_427 = arith.constant 64 : index
      %get3A_428 = tpu.vector_load %arg6[%get3A_426, %get3A_427] {strides = array<i32>} : memref<200x128xf32, #tpu.memory_space<vmem>>, vector<1x16xf32>,
      %get3A_429 = vector.shape_cast %get3A_428 : vector<1x16xf32> to vector<16xf32>
      %add3A_430 = arith.addf %add3A_374, %get3A_429 : vector<16xf32>
      %add3A_431 = arith.constant 3 : i32
      %add3A_432 = arith.addi %mul3A_228, %add3A_431 : i32
      %get3A_433 = arith.index_cast %add3A_432 : i32 to index
      %get3A_434 = arith.constant 80 : index
      %get3A_435 = tpu.vector_load %arg6[%get3A_433, %get3A_434] {strides = array<i32>} : memref<200x128xf32, #tpu.memory_space<vmem>>, vector<1x16xf32>,
      %get3A_436 = vector.shape_cast %get3A_435 : vector<1x16xf32> to vector<16xf32>
      %add3A_437 = arith.addf %add3A_381, %get3A_436 : vector<16xf32>
      %add3A_438 = arith.constant 3 : i32
      %add3A_439 = arith.addi %mul3A_228, %add3A_438 : i32
      %get3A_440 = arith.index_cast %add3A_439 : i32 to index
      %get3A_441 = arith.constant 96 : index
      %get3A_442 = tpu.vector_load %arg6[%get3A_440, %get3A_441] {strides = array<i32>} : memref<200x128xf32, #tpu.memory_space<vmem>>, vector<1x16xf32>,
      %get3A_443 = vector.shape_cast %get3A_442 : vector<1x16xf32> to vector<16xf32>
      %add3A_444 = arith.addf %add3A_388, %get3A_443 : vector<16xf32>
      %add3A_445 = arith.constant 3 : i32
      %add3A_446 = arith.addi %mul3A_228, %add3A_445 : i32
      %get3A_447 = arith.index_cast %add3A_446 : i32 to index
      %get3A_448 = arith.constant 112 : index
      %get3A_449 = tpu.vector_load %arg6[%get3A_447, %get3A_448] {strides = array<i32>} : memref<200x128xf32, #tpu.memory_space<vmem>>, vector<1x16xf32>,
      %get3A_450 = vector.shape_cast %get3A_449 : vector<1x16xf32> to vector<16xf32>
      %add3A_451 = arith.addf %add3A_395, %get3A_450 : vector<16xf32>
      scf.yield %add3A_402, %add3A_409, %add3A_416, %add3A_423, %add3A_430, %add3A_437, %add3A_444, %add3A_451 : vector<16xf32>, vector<16xf32>, vector<16xf32>, vector<16xf32>, vector<16xf32>, vector<16xf32>, vector<16xf32>, vector<16xf32>
    }
    %scan3A_82 = arith.constant 50 : i32
    %swap3A = arith.constant 126 : i32
    %swap3A_83 = arith.index_cast %swap3A : i32 to index
    %swap3A_84 = arith.constant 0 : index
    %swap3A_85 = tpu.vector_load %arg9[%swap3A_83, %swap3A_84] {strides = array<i32>} : memref<128x128xf32, #tpu.memory_space<vmem>>, vector<1x16xf32>,
    %swap3A_86 = vector.shape_cast %swap3A_85 : vector<1x16xf32> to vector<16xf32>
    %swap3A_87 = vector.shape_cast %scan3A_81#0 : vector<16xf32> to vector<1x16xf32>
    tpu.vector_store %arg9[%swap3A_83, %swap3A_84], %swap3A_87 {strides = array<i32>} : memref<128x128xf32, #tpu.memory_space<vmem>>, vector<1x16xf32>,
    %swap3A_88 = arith.constant 126 : i32
    %swap3A_89 = arith.index_cast %swap3A_88 : i32 to index
    %swap3A_90 = arith.constant 16 : index
    %swap3A_91 = tpu.vector_load %arg9[%swap3A_89, %swap3A_90] {strides = array<i32>} : memref<128x128xf32, #tpu.memory_space<vmem>>, vector<1x16xf32>,
    %swap3A_92 = vector.shape_cast %swap3A_91 : vector<1x16xf32> to vector<16xf32>
    %swap3A_93 = vector.shape_cast %scan3A_81#1 : vector<16xf32> to vector<1x16xf32>
    tpu.vector_store %arg9[%swap3A_89, %swap3A_90], %swap3A_93 {strides = array<i32>} : memref<128x128xf32, #tpu.memory_space<vmem>>, vector<1x16xf32>,
    %swap3A_94 = arith.constant 126 : i32
    %swap3A_95 = arith.index_cast %swap3A_94 : i32 to index
    %swap3A_96 = arith.constant 32 : index
    %swap3A_97 = tpu.vector_load %arg9[%swap3A_95, %swap3A_96] {strides = array<i32>} : memref<128x128xf32, #tpu.memory_space<vmem>>, vector<1x16xf32>,
    %swap3A_98 = vector.shape_cast %swap3A_97 : vector<1x16xf32> to vector<16xf32>
    %swap3A_99 = vector.shape_cast %scan3A_81#2 : vector<16xf32> to vector<1x16xf32>
    tpu.vector_store %arg9[%swap3A_95, %swap3A_96], %swap3A_99 {strides = array<i32>} : memref<128x128xf32, #tpu.memory_space<vmem>>, vector<1x16xf32>,
    %swap3A_100 = arith.constant 126 : i32
    %swap3A_101 = arith.index_cast %swap3A_100 : i32 to index
    %swap3A_102 = arith.constant 48 : index
    %swap3A_103 = tpu.vector_load %arg9[%swap3A_101, %swap3A_102] {strides = array<i32>} : memref<128x128xf32, #tpu.memory_space<vmem>>, vector<1x16xf32>,
    %swap3A_104 = vector.shape_cast %swap3A_103 : vector<1x16xf32> to vector<16xf32>
    %swap3A_105 = vector.shape_cast %scan3A_81#3 : vector<16xf32> to vector<1x16xf32>
    tpu.vector_store %arg9[%swap3A_101, %swap3A_102], %swap3A_105 {strides = array<i32>} : memref<128x128xf32, #tpu.memory_space<vmem>>, vector<1x16xf32>,
    %swap3A_106 = arith.constant 126 : i32
    %swap3A_107 = arith.index_cast %swap3A_106 : i32 to index
    %swap3A_108 = arith.constant 64 : index
    %swap3A_109 = tpu.vector_load %arg9[%swap3A_107, %swap3A_108] {strides = array<i32>} : memref<128x128xf32, #tpu.memory_space<vmem>>, vector<1x16xf32>,
    %swap3A_110 = vector.shape_cast %swap3A_109 : vector<1x16xf32> to vector<16xf32>
    %swap3A_111 = vector.shape_cast %scan3A_81#4 : vector<16xf32> to vector<1x16xf32>
    tpu.vector_store %arg9[%swap3A_107, %swap3A_108], %swap3A_111 {strides = array<i32>} : memref<128x128xf32, #tpu.memory_space<vmem>>, vector<1x16xf32>,
    %swap3A_112 = arith.constant 126 : i32
    %swap3A_113 = arith.index_cast %swap3A_112 : i32 to index
    %swap3A_114 = arith.constant 80 : index
    %swap3A_115 = tpu.vector_load %arg9[%swap3A_113, %swap3A_114] {strides = array<i32>} : memref<128x128xf32, #tpu.memory_space<vmem>>, vector<1x16xf32>,
    %swap3A_116 = vector.shape_cast %swap3A_115 : vector<1x16xf32> to vector<16xf32>
    %swap3A_117 = vector.shape_cast %scan3A_81#5 : vector<16xf32> to vector<1x16xf32>
    tpu.vector_store %arg9[%swap3A_113, %swap3A_114], %swap3A_117 {strides = array<i32>} : memref<128x128xf32, #tpu.memory_space<vmem>>, vector<1x16xf32>,
    %swap3A_118 = arith.constant 126 : i32
    %swap3A_119 = arith.index_cast %swap3A_118 : i32 to index
    %swap3A_120 = arith.constant 96 : index
    %swap3A_121 = tpu.vector_load %arg9[%swap3A_119, %swap3A_120] {strides = array<i32>} : memref<128x128xf32, #tpu.memory_space<vmem>>, vector<1x16xf32>,
    %swap3A_122 = vector.shape_cast %swap3A_121 : vector<1x16xf32> to vector<16xf32>
    %swap3A_123 = vector.shape_cast %scan3A_81#6 : vector<16xf32> to vector<1x16xf32>
    tpu.vector_store %arg9[%swap3A_119, %swap3A_120], %swap3A_123 {strides = array<i32>} : memref<128x128xf32, #tpu.memory_space<vmem>>, vector<1x16xf32>,
    %swap3A_124 = arith.constant 126 : i32
    %swap3A_125 = arith.index_cast %swap3A_124 : i32 to index
    %swap3A_126 = arith.constant 112 : index
    %swap3A_127 = tpu.vector_load %arg9[%swap3A_125, %swap3A_126] {strides = array<i32>} : memref<128x128xf32, #tpu.memory_space<vmem>>, vector<1x16xf32>,
    %swap3A_128 = vector.shape_cast %swap3A_127 : vector<1x16xf32> to vector<16xf32>
    %swap3A_129 = vector.shape_cast %scan3A_81#7 : vector<16xf32> to vector<1x16xf32>
    tpu.vector_store %arg9[%swap3A_125, %swap3A_126], %swap3A_129 {strides = array<i32>} : memref<128x128xf32, #tpu.memory_space<vmem>>, vector<1x16xf32>,
    %multiple_of3A_130 = arith.constant 25400 : i32
    %multiple_of3A_131 = tpu.assume_multiple %multiple_of3A_130, 8 : i32
    %multiple_of3A_132 = arith.constant 25504 : i32
    %multiple_of3A_133 = tpu.assume_multiple %multiple_of3A_132, 8 : i32
    %dma_wait3A_134 = arith.constant 0 : i32
    %dma_wait3A_135 = arith.constant 0 : i32
    %dma_wait3A_136 = tpu.memref_slice %arg7[%dma_wait3A_134, %dma_wait3A_135] : memref<200x128xf32, #tpu.memory_space<vmem>> -> memref<104x128xf32, #tpu.memory_space<vmem>>
    %dma_wait3A_137 = tpu.memref_slice %arg5[%multiple_of3A_131] : memref<25600xi32, #tpu.memory_space<vmem>> -> memref<104xi32, #tpu.memory_space<vmem>>
    %dma_wait3A_138 = arith.constant 0 : i32
    %dma_wait3A_139 = arith.constant 0 : i32
    %dma_wait3A_140 = tpu.memref_slice %arg3[%dma_wait3A_138, %dma_wait3A_139] : memref<1000000x128xf32, #tpu.memory_space<hbm>> -> memref<1000000x128xf32, #tpu.memory_space<hbm>>
    tpu.wait_indirect_dma semaphore(%arg11 : memref<!tpu.dma_semaphore, #tpu.memory_space<semaphore_mem>>) src(%dma_wait3A_140 : memref<1000000x128xf32, #tpu.memory_space<hbm>>) dst(%dma_wait3A_136 : memref<104x128xf32, #tpu.memory_space<vmem>>)
    %dma_wait3A_141 = arith.constant 104 : i32
    %dma_wait3A_142 = arith.constant 0 : i32
    %dma_wait3A_143 = tpu.memref_slice %arg7[%dma_wait3A_141, %dma_wait3A_142] : memref<200x128xf32, #tpu.memory_space<vmem>> -> memref<96x128xf32, #tpu.memory_space<vmem>>
    %dma_wait3A_144 = tpu.memref_slice %arg5[%multiple_of3A_133] : memref<25600xi32, #tpu.memory_space<vmem>> -> memref<96xi32, #tpu.memory_space<vmem>>
    %dma_wait3A_145 = arith.constant 0 : i32
    %dma_wait3A_146 = arith.constant 0 : i32
    %dma_wait3A_147 = tpu.memref_slice %arg3[%dma_wait3A_145, %dma_wait3A_146] : memref<1000000x128xf32, #tpu.memory_space<hbm>> -> memref<1000000x128xf32, #tpu.memory_space<hbm>>
    tpu.wait_indirect_dma semaphore(%arg11 : memref<!tpu.dma_semaphore, #tpu.memory_space<semaphore_mem>>) src(%dma_wait3A_147 : memref<1000000x128xf32, #tpu.memory_space<hbm>>) dst(%dma_wait3A_143 : memref<96x128xf32, #tpu.memory_space<vmem>>)
    %broadcast_in_dim3A_148 = arith.constant 0.000000e+00 : f32
    %broadcast_in_dim3A_149 = vector.broadcast %broadcast_in_dim3A_148 : f32 to vector<16xf32>
    %broadcast_in_dim3A_150 = arith.constant 0.000000e+00 : f32
    %broadcast_in_dim3A_151 = vector.broadcast %broadcast_in_dim3A_150 : f32 to vector<16xf32>
    %broadcast_in_dim3A_152 = arith.constant 0.000000e+00 : f32
    %broadcast_in_dim3A_153 = vector.broadcast %broadcast_in_dim3A_152 : f32 to vector<16xf32>
    %broadcast_in_dim3A_154 = arith.constant 0.000000e+00 : f32
    %broadcast_in_dim3A_155 = vector.broadcast %broadcast_in_dim3A_154 : f32 to vector<16xf32>
    %broadcast_in_dim3A_156 = arith.constant 0.000000e+00 : f32
    %broadcast_in_dim3A_157 = vector.broadcast %broadcast_in_dim3A_156 : f32 to vector<16xf32>
    %broadcast_in_dim3A_158 = arith.constant 0.000000e+00 : f32
    %broadcast_in_dim3A_159 = vector.broadcast %broadcast_in_dim3A_158 : f32 to vector<16xf32>
    %broadcast_in_dim3A_160 = arith.constant 0.000000e+00 : f32
    %broadcast_in_dim3A_161 = vector.broadcast %broadcast_in_dim3A_160 : f32 to vector<16xf32>
    %broadcast_in_dim3A_162 = arith.constant 0.000000e+00 : f32
    %broadcast_in_dim3A_163 = vector.broadcast %broadcast_in_dim3A_162 : f32 to vector<16xf32>
    %scan3A_164 = arith.constant 0 : i32
    %scan3A_165 = arith.constant 50 : i32
    %scan3A_166 = arith.addi %scan3A_164, %scan3A_165 : i32
    %scan3A_167 = arith.constant 1 : i32
    %scan3A_168:8 = scf.for %scan3A_218 = %scan3A_164 to %scan3A_166 step %scan3A_167 iter_args(%scan3A_219 = %broadcast_in_dim3A_149, %scan3A_220 = %broadcast_in_dim3A_151, %scan3A_221 = %broadcast_in_dim3A_153, %scan3A_222 = %broadcast_in_dim3A_155, %scan3A_223 = %broadcast_in_dim3A_157, %scan3A_224 = %broadcast_in_dim3A_159, %scan3A_225 = %broadcast_in_dim3A_161, %scan3A_226 = %broadcast_in_dim3A_163) -> (vector<16xf32>, vector<16xf32>, vector<16xf32>, vector<16xf32>, vector<16xf32>, vector<16xf32>, vector<16xf32>, vector<16xf32>)  : i32 {
      %mul3A_227 = arith.constant 4 : i32
      %mul3A_228 = arith.muli %scan3A_218, %mul3A_227 : i32
      %add3A_229 = arith.constant 0 : i32
      %add3A_230 = arith.addi %mul3A_228, %add3A_229 : i32
      %get3A = arith.index_cast %add3A_230 : i32 to index
      %get3A_231 = arith.constant 0 : index
      %get3A_232 = tpu.vector_load %arg7[%get3A, %get3A_231] {strides = array<i32>} : memref<200x128xf32, #tpu.memory_space<vmem>>, vector<1x16xf32>,
      %get3A_233 = vector.shape_cast %get3A_232 : vector<1x16xf32> to vector<16xf32>
      %add3A_234 = arith.addf %scan3A_219, %get3A_233 : vector<16xf32>
      %add3A_235 = arith.constant 0 : i32
      %add3A_236 = arith.addi %mul3A_228, %add3A_235 : i32
      %get3A_237 = arith.index_cast %add3A_236 : i32 to index
      %get3A_238 = arith.constant 16 : index
      %get3A_239 = tpu.vector_load %arg7[%get3A_237, %get3A_238] {strides = array<i32>} : memref<200x128xf32, #tpu.memory_space<vmem>>, vector<1x16xf32>,
      %get3A_240 = vector.shape_cast %get3A_239 : vector<1x16xf32> to vector<16xf32>
      %add3A_241 = arith.addf %scan3A_220, %get3A_240 : vector<16xf32>
      %add3A_242 = arith.constant 0 : i32
      %add3A_243 = arith.addi %mul3A_228, %add3A_242 : i32
      %get3A_244 = arith.index_cast %add3A_243 : i32 to index
      %get3A_245 = arith.constant 32 : index
      %get3A_246 = tpu.vector_load %arg7[%get3A_244, %get3A_245] {strides = array<i32>} : memref<200x128xf32, #tpu.memory_space<vmem>>, vector<1x16xf32>,
      %get3A_247 = vector.shape_cast %get3A_246 : vector<1x16xf32> to vector<16xf32>
      %add3A_248 = arith.addf %scan3A_221, %get3A_247 : vector<16xf32>
      %add3A_249 = arith.constant 0 : i32
      %add3A_250 = arith.addi %mul3A_228, %add3A_249 : i32
      %get3A_251 = arith.index_cast %add3A_250 : i32 to index
      %get3A_252 = arith.constant 48 : index
      %get3A_253 = tpu.vector_load %arg7[%get3A_251, %get3A_252] {strides = array<i32>} : memref<200x128xf32, #tpu.memory_space<vmem>>, vector<1x16xf32>,
      %get3A_254 = vector.shape_cast %get3A_253 : vector<1x16xf32> to vector<16xf32>
      %add3A_255 = arith.addf %scan3A_222, %get3A_254 : vector<16xf32>
      %add3A_256 = arith.constant 0 : i32
      %add3A_257 = arith.addi %mul3A_228, %add3A_256 : i32
      %get3A_258 = arith.index_cast %add3A_257 : i32 to index
      %get3A_259 = arith.constant 64 : index
      %get3A_260 = tpu.vector_load %arg7[%get3A_258, %get3A_259] {strides = array<i32>} : memref<200x128xf32, #tpu.memory_space<vmem>>, vector<1x16xf32>,
      %get3A_261 = vector.shape_cast %get3A_260 : vector<1x16xf32> to vector<16xf32>
      %add3A_262 = arith.addf %scan3A_223, %get3A_261 : vector<16xf32>
      %add3A_263 = arith.constant 0 : i32
      %add3A_264 = arith.addi %mul3A_228, %add3A_263 : i32
      %get3A_265 = arith.index_cast %add3A_264 : i32 to index
      %get3A_266 = arith.constant 80 : index
      %get3A_267 = tpu.vector_load %arg7[%get3A_265, %get3A_266] {strides = array<i32>} : memref<200x128xf32, #tpu.memory_space<vmem>>, vector<1x16xf32>,
      %get3A_268 = vector.shape_cast %get3A_267 : vector<1x16xf32> to vector<16xf32>
      %add3A_269 = arith.addf %scan3A_224, %get3A_268 : vector<16xf32>
      %add3A_270 = arith.constant 0 : i32
      %add3A_271 = arith.addi %mul3A_228, %add3A_270 : i32
      %get3A_272 = arith.index_cast %add3A_271 : i32 to index
      %get3A_273 = arith.constant 96 : index
      %get3A_274 = tpu.vector_load %arg7[%get3A_272, %get3A_273] {strides = array<i32>} : memref<200x128xf32, #tpu.memory_space<vmem>>, vector<1x16xf32>,
      %get3A_275 = vector.shape_cast %get3A_274 : vector<1x16xf32> to vector<16xf32>
      %add3A_276 = arith.addf %scan3A_225, %get3A_275 : vector<16xf32>
      %add3A_277 = arith.constant 0 : i32
      %add3A_278 = arith.addi %mul3A_228, %add3A_277 : i32
      %get3A_279 = arith.index_cast %add3A_278 : i32 to index
      %get3A_280 = arith.constant 112 : index
      %get3A_281 = tpu.vector_load %arg7[%get3A_279, %get3A_280] {strides = array<i32>} : memref<200x128xf32, #tpu.memory_space<vmem>>, vector<1x16xf32>,
      %get3A_282 = vector.shape_cast %get3A_281 : vector<1x16xf32> to vector<16xf32>
      %add3A_283 = arith.addf %scan3A_226, %get3A_282 : vector<16xf32>
      %add3A_284 = arith.constant 1 : i32
      %add3A_285 = arith.addi %mul3A_228, %add3A_284 : i32
      %get3A_286 = arith.index_cast %add3A_285 : i32 to index
      %get3A_287 = arith.constant 0 : index
      %get3A_288 = tpu.vector_load %arg7[%get3A_286, %get3A_287] {strides = array<i32>} : memref<200x128xf32, #tpu.memory_space<vmem>>, vector<1x16xf32>,
      %get3A_289 = vector.shape_cast %get3A_288 : vector<1x16xf32> to vector<16xf32>
      %add3A_290 = arith.addf %add3A_234, %get3A_289 : vector<16xf32>
      %add3A_291 = arith.constant 1 : i32
      %add3A_292 = arith.addi %mul3A_228, %add3A_291 : i32
      %get3A_293 = arith.index_cast %add3A_292 : i32 to index
      %get3A_294 = arith.constant 16 : index
      %get3A_295 = tpu.vector_load %arg7[%get3A_293, %get3A_294] {strides = array<i32>} : memref<200x128xf32, #tpu.memory_space<vmem>>, vector<1x16xf32>,
      %get3A_296 = vector.shape_cast %get3A_295 : vector<1x16xf32> to vector<16xf32>
      %add3A_297 = arith.addf %add3A_241, %get3A_296 : vector<16xf32>
      %add3A_298 = arith.constant 1 : i32
      %add3A_299 = arith.addi %mul3A_228, %add3A_298 : i32
      %get3A_300 = arith.index_cast %add3A_299 : i32 to index
      %get3A_301 = arith.constant 32 : index
      %get3A_302 = tpu.vector_load %arg7[%get3A_300, %get3A_301] {strides = array<i32>} : memref<200x128xf32, #tpu.memory_space<vmem>>, vector<1x16xf32>,
      %get3A_303 = vector.shape_cast %get3A_302 : vector<1x16xf32> to vector<16xf32>
      %add3A_304 = arith.addf %add3A_248, %get3A_303 : vector<16xf32>
      %add3A_305 = arith.constant 1 : i32
      %add3A_306 = arith.addi %mul3A_228, %add3A_305 : i32
      %get3A_307 = arith.index_cast %add3A_306 : i32 to index
      %get3A_308 = arith.constant 48 : index
      %get3A_309 = tpu.vector_load %arg7[%get3A_307, %get3A_308] {strides = array<i32>} : memref<200x128xf32, #tpu.memory_space<vmem>>, vector<1x16xf32>,
      %get3A_310 = vector.shape_cast %get3A_309 : vector<1x16xf32> to vector<16xf32>
      %add3A_311 = arith.addf %add3A_255, %get3A_310 : vector<16xf32>
      %add3A_312 = arith.constant 1 : i32
      %add3A_313 = arith.addi %mul3A_228, %add3A_312 : i32
      %get3A_314 = arith.index_cast %add3A_313 : i32 to index
      %get3A_315 = arith.constant 64 : index
      %get3A_316 = tpu.vector_load %arg7[%get3A_314, %get3A_315] {strides = array<i32>} : memref<200x128xf32, #tpu.memory_space<vmem>>, vector<1x16xf32>,
      %get3A_317 = vector.shape_cast %get3A_316 : vector<1x16xf32> to vector<16xf32>
      %add3A_318 = arith.addf %add3A_262, %get3A_317 : vector<16xf32>
      %add3A_319 = arith.constant 1 : i32
      %add3A_320 = arith.addi %mul3A_228, %add3A_319 : i32
      %get3A_321 = arith.index_cast %add3A_320 : i32 to index
      %get3A_322 = arith.constant 80 : index
      %get3A_323 = tpu.vector_load %arg7[%get3A_321, %get3A_322] {strides = array<i32>} : memref<200x128xf32, #tpu.memory_space<vmem>>, vector<1x16xf32>,
      %get3A_324 = vector.shape_cast %get3A_323 : vector<1x16xf32> to vector<16xf32>
      %add3A_325 = arith.addf %add3A_269, %get3A_324 : vector<16xf32>
      %add3A_326 = arith.constant 1 : i32
      %add3A_327 = arith.addi %mul3A_228, %add3A_326 : i32
      %get3A_328 = arith.index_cast %add3A_327 : i32 to index
      %get3A_329 = arith.constant 96 : index
      %get3A_330 = tpu.vector_load %arg7[%get3A_328, %get3A_329] {strides = array<i32>} : memref<200x128xf32, #tpu.memory_space<vmem>>, vector<1x16xf32>,
      %get3A_331 = vector.shape_cast %get3A_330 : vector<1x16xf32> to vector<16xf32>
      %add3A_332 = arith.addf %add3A_276, %get3A_331 : vector<16xf32>
      %add3A_333 = arith.constant 1 : i32
      %add3A_334 = arith.addi %mul3A_228, %add3A_333 : i32
      %get3A_335 = arith.index_cast %add3A_334 : i32 to index
      %get3A_336 = arith.constant 112 : index
      %get3A_337 = tpu.vector_load %arg7[%get3A_335, %get3A_336] {strides = array<i32>} : memref<200x128xf32, #tpu.memory_space<vmem>>, vector<1x16xf32>,
      %get3A_338 = vector.shape_cast %get3A_337 : vector<1x16xf32> to vector<16xf32>
      %add3A_339 = arith.addf %add3A_283, %get3A_338 : vector<16xf32>
      %add3A_340 = arith.constant 2 : i32
      %add3A_341 = arith.addi %mul3A_228, %add3A_340 : i32
      %get3A_342 = arith.index_cast %add3A_341 : i32 to index
      %get3A_343 = arith.constant 0 : index
      %get3A_344 = tpu.vector_load %arg7[%get3A_342, %get3A_343] {strides = array<i32>} : memref<200x128xf32, #tpu.memory_space<vmem>>, vector<1x16xf32>,
      %get3A_345 = vector.shape_cast %get3A_344 : vector<1x16xf32> to vector<16xf32>
      %add3A_346 = arith.addf %add3A_290, %get3A_345 : vector<16xf32>
      %add3A_347 = arith.constant 2 : i32
      %add3A_348 = arith.addi %mul3A_228, %add3A_347 : i32
      %get3A_349 = arith.index_cast %add3A_348 : i32 to index
      %get3A_350 = arith.constant 16 : index
      %get3A_351 = tpu.vector_load %arg7[%get3A_349, %get3A_350] {strides = array<i32>} : memref<200x128xf32, #tpu.memory_space<vmem>>, vector<1x16xf32>,
      %get3A_352 = vector.shape_cast %get3A_351 : vector<1x16xf32> to vector<16xf32>
      %add3A_353 = arith.addf %add3A_297, %get3A_352 : vector<16xf32>
      %add3A_354 = arith.constant 2 : i32
      %add3A_355 = arith.addi %mul3A_228, %add3A_354 : i32
      %get3A_356 = arith.index_cast %add3A_355 : i32 to index
      %get3A_357 = arith.constant 32 : index
      %get3A_358 = tpu.vector_load %arg7[%get3A_356, %get3A_357] {strides = array<i32>} : memref<200x128xf32, #tpu.memory_space<vmem>>, vector<1x16xf32>,
      %get3A_359 = vector.shape_cast %get3A_358 : vector<1x16xf32> to vector<16xf32>
      %add3A_360 = arith.addf %add3A_304, %get3A_359 : vector<16xf32>
      %add3A_361 = arith.constant 2 : i32
      %add3A_362 = arith.addi %mul3A_228, %add3A_361 : i32
      %get3A_363 = arith.index_cast %add3A_362 : i32 to index
      %get3A_364 = arith.constant 48 : index
      %get3A_365 = tpu.vector_load %arg7[%get3A_363, %get3A_364] {strides = array<i32>} : memref<200x128xf32, #tpu.memory_space<vmem>>, vector<1x16xf32>,
      %get3A_366 = vector.shape_cast %get3A_365 : vector<1x16xf32> to vector<16xf32>
      %add3A_367 = arith.addf %add3A_311, %get3A_366 : vector<16xf32>
      %add3A_368 = arith.constant 2 : i32
      %add3A_369 = arith.addi %mul3A_228, %add3A_368 : i32
      %get3A_370 = arith.index_cast %add3A_369 : i32 to index
      %get3A_371 = arith.constant 64 : index
      %get3A_372 = tpu.vector_load %arg7[%get3A_370, %get3A_371] {strides = array<i32>} : memref<200x128xf32, #tpu.memory_space<vmem>>, vector<1x16xf32>,
      %get3A_373 = vector.shape_cast %get3A_372 : vector<1x16xf32> to vector<16xf32>
      %add3A_374 = arith.addf %add3A_318, %get3A_373 : vector<16xf32>
      %add3A_375 = arith.constant 2 : i32
      %add3A_376 = arith.addi %mul3A_228, %add3A_375 : i32
      %get3A_377 = arith.index_cast %add3A_376 : i32 to index
      %get3A_378 = arith.constant 80 : index
      %get3A_379 = tpu.vector_load %arg7[%get3A_377, %get3A_378] {strides = array<i32>} : memref<200x128xf32, #tpu.memory_space<vmem>>, vector<1x16xf32>,
      %get3A_380 = vector.shape_cast %get3A_379 : vector<1x16xf32> to vector<16xf32>
      %add3A_381 = arith.addf %add3A_325, %get3A_380 : vector<16xf32>
      %add3A_382 = arith.constant 2 : i32
      %add3A_383 = arith.addi %mul3A_228, %add3A_382 : i32
      %get3A_384 = arith.index_cast %add3A_383 : i32 to index
      %get3A_385 = arith.constant 96 : index
      %get3A_386 = tpu.vector_load %arg7[%get3A_384, %get3A_385] {strides = array<i32>} : memref<200x128xf32, #tpu.memory_space<vmem>>, vector<1x16xf32>,
      %get3A_387 = vector.shape_cast %get3A_386 : vector<1x16xf32> to vector<16xf32>
      %add3A_388 = arith.addf %add3A_332, %get3A_387 : vector<16xf32>
      %add3A_389 = arith.constant 2 : i32
      %add3A_390 = arith.addi %mul3A_228, %add3A_389 : i32
      %get3A_391 = arith.index_cast %add3A_390 : i32 to index
      %get3A_392 = arith.constant 112 : index
      %get3A_393 = tpu.vector_load %arg7[%get3A_391, %get3A_392] {strides = array<i32>} : memref<200x128xf32, #tpu.memory_space<vmem>>, vector<1x16xf32>,
      %get3A_394 = vector.shape_cast %get3A_393 : vector<1x16xf32> to vector<16xf32>
      %add3A_395 = arith.addf %add3A_339, %get3A_394 : vector<16xf32>
      %add3A_396 = arith.constant 3 : i32
      %add3A_397 = arith.addi %mul3A_228, %add3A_396 : i32
      %get3A_398 = arith.index_cast %add3A_397 : i32 to index
      %get3A_399 = arith.constant 0 : index
      %get3A_400 = tpu.vector_load %arg7[%get3A_398, %get3A_399] {strides = array<i32>} : memref<200x128xf32, #tpu.memory_space<vmem>>, vector<1x16xf32>,
      %get3A_401 = vector.shape_cast %get3A_400 : vector<1x16xf32> to vector<16xf32>
      %add3A_402 = arith.addf %add3A_346, %get3A_401 : vector<16xf32>
      %add3A_403 = arith.constant 3 : i32
      %add3A_404 = arith.addi %mul3A_228, %add3A_403 : i32
      %get3A_405 = arith.index_cast %add3A_404 : i32 to index
      %get3A_406 = arith.constant 16 : index
      %get3A_407 = tpu.vector_load %arg7[%get3A_405, %get3A_406] {strides = array<i32>} : memref<200x128xf32, #tpu.memory_space<vmem>>, vector<1x16xf32>,
      %get3A_408 = vector.shape_cast %get3A_407 : vector<1x16xf32> to vector<16xf32>
      %add3A_409 = arith.addf %add3A_353, %get3A_408 : vector<16xf32>
      %add3A_410 = arith.constant 3 : i32
      %add3A_411 = arith.addi %mul3A_228, %add3A_410 : i32
      %get3A_412 = arith.index_cast %add3A_411 : i32 to index
      %get3A_413 = arith.constant 32 : index
      %get3A_414 = tpu.vector_load %arg7[%get3A_412, %get3A_413] {strides = array<i32>} : memref<200x128xf32, #tpu.memory_space<vmem>>, vector<1x16xf32>,
      %get3A_415 = vector.shape_cast %get3A_414 : vector<1x16xf32> to vector<16xf32>
      %add3A_416 = arith.addf %add3A_360, %get3A_415 : vector<16xf32>
      %add3A_417 = arith.constant 3 : i32
      %add3A_418 = arith.addi %mul3A_228, %add3A_417 : i32
      %get3A_419 = arith.index_cast %add3A_418 : i32 to index
      %get3A_420 = arith.constant 48 : index
      %get3A_421 = tpu.vector_load %arg7[%get3A_419, %get3A_420] {strides = array<i32>} : memref<200x128xf32, #tpu.memory_space<vmem>>, vector<1x16xf32>,
      %get3A_422 = vector.shape_cast %get3A_421 : vector<1x16xf32> to vector<16xf32>
      %add3A_423 = arith.addf %add3A_367, %get3A_422 : vector<16xf32>
      %add3A_424 = arith.constant 3 : i32
      %add3A_425 = arith.addi %mul3A_228, %add3A_424 : i32
      %get3A_426 = arith.index_cast %add3A_425 : i32 to index
      %get3A_427 = arith.constant 64 : index
      %get3A_428 = tpu.vector_load %arg7[%get3A_426, %get3A_427] {strides = array<i32>} : memref<200x128xf32, #tpu.memory_space<vmem>>, vector<1x16xf32>,
      %get3A_429 = vector.shape_cast %get3A_428 : vector<1x16xf32> to vector<16xf32>
      %add3A_430 = arith.addf %add3A_374, %get3A_429 : vector<16xf32>
      %add3A_431 = arith.constant 3 : i32
      %add3A_432 = arith.addi %mul3A_228, %add3A_431 : i32
      %get3A_433 = arith.index_cast %add3A_432 : i32 to index
      %get3A_434 = arith.constant 80 : index
      %get3A_435 = tpu.vector_load %arg7[%get3A_433, %get3A_434] {strides = array<i32>} : memref<200x128xf32, #tpu.memory_space<vmem>>, vector<1x16xf32>,
      %get3A_436 = vector.shape_cast %get3A_435 : vector<1x16xf32> to vector<16xf32>
      %add3A_437 = arith.addf %add3A_381, %get3A_436 : vector<16xf32>
      %add3A_438 = arith.constant 3 : i32
      %add3A_439 = arith.addi %mul3A_228, %add3A_438 : i32
      %get3A_440 = arith.index_cast %add3A_439 : i32 to index
      %get3A_441 = arith.constant 96 : index
      %get3A_442 = tpu.vector_load %arg7[%get3A_440, %get3A_441] {strides = array<i32>} : memref<200x128xf32, #tpu.memory_space<vmem>>, vector<1x16xf32>,
      %get3A_443 = vector.shape_cast %get3A_442 : vector<1x16xf32> to vector<16xf32>
      %add3A_444 = arith.addf %add3A_388, %get3A_443 : vector<16xf32>
      %add3A_445 = arith.constant 3 : i32
      %add3A_446 = arith.addi %mul3A_228, %add3A_445 : i32
      %get3A_447 = arith.index_cast %add3A_446 : i32 to index
      %get3A_448 = arith.constant 112 : index
      %get3A_449 = tpu.vector_load %arg7[%get3A_447, %get3A_448] {strides = array<i32>} : memref<200x128xf32, #tpu.memory_space<vmem>>, vector<1x16xf32>,
      %get3A_450 = vector.shape_cast %get3A_449 : vector<1x16xf32> to vector<16xf32>
      %add3A_451 = arith.addf %add3A_395, %get3A_450 : vector<16xf32>
      scf.yield %add3A_402, %add3A_409, %add3A_416, %add3A_423, %add3A_430, %add3A_437, %add3A_444, %add3A_451 : vector<16xf32>, vector<16xf32>, vector<16xf32>, vector<16xf32>, vector<16xf32>, vector<16xf32>, vector<16xf32>, vector<16xf32>
    }
    %scan3A_169 = arith.constant 50 : i32
    %swap3A_170 = arith.constant 127 : i32
    %swap3A_171 = arith.index_cast %swap3A_170 : i32 to index
    %swap3A_172 = arith.constant 0 : index
    %swap3A_173 = tpu.vector_load %arg9[%swap3A_171, %swap3A_172] {strides = array<i32>} : memref<128x128xf32, #tpu.memory_space<vmem>>, vector<1x16xf32>,
    %swap3A_174 = vector.shape_cast %swap3A_173 : vector<1x16xf32> to vector<16xf32>
    %swap3A_175 = vector.shape_cast %scan3A_168#0 : vector<16xf32> to vector<1x16xf32>
    tpu.vector_store %arg9[%swap3A_171, %swap3A_172], %swap3A_175 {strides = array<i32>} : memref<128x128xf32, #tpu.memory_space<vmem>>, vector<1x16xf32>,
    %swap3A_176 = arith.constant 127 : i32
    %swap3A_177 = arith.index_cast %swap3A_176 : i32 to index
    %swap3A_178 = arith.constant 16 : index
    %swap3A_179 = tpu.vector_load %arg9[%swap3A_177, %swap3A_178] {strides = array<i32>} : memref<128x128xf32, #tpu.memory_space<vmem>>, vector<1x16xf32>,
    %swap3A_180 = vector.shape_cast %swap3A_179 : vector<1x16xf32> to vector<16xf32>
    %swap3A_181 = vector.shape_cast %scan3A_168#1 : vector<16xf32> to vector<1x16xf32>
    tpu.vector_store %arg9[%swap3A_177, %swap3A_178], %swap3A_181 {strides = array<i32>} : memref<128x128xf32, #tpu.memory_space<vmem>>, vector<1x16xf32>,
    %swap3A_182 = arith.constant 127 : i32
    %swap3A_183 = arith.index_cast %swap3A_182 : i32 to index
    %swap3A_184 = arith.constant 32 : index
    %swap3A_185 = tpu.vector_load %arg9[%swap3A_183, %swap3A_184] {strides = array<i32>} : memref<128x128xf32, #tpu.memory_space<vmem>>, vector<1x16xf32>,
    %swap3A_186 = vector.shape_cast %swap3A_185 : vector<1x16xf32> to vector<16xf32>
    %swap3A_187 = vector.shape_cast %scan3A_168#2 : vector<16xf32> to vector<1x16xf32>
    tpu.vector_store %arg9[%swap3A_183, %swap3A_184], %swap3A_187 {strides = array<i32>} : memref<128x128xf32, #tpu.memory_space<vmem>>, vector<1x16xf32>,
    %swap3A_188 = arith.constant 127 : i32
    %swap3A_189 = arith.index_cast %swap3A_188 : i32 to index
    %swap3A_190 = arith.constant 48 : index
    %swap3A_191 = tpu.vector_load %arg9[%swap3A_189, %swap3A_190] {strides = array<i32>} : memref<128x128xf32, #tpu.memory_space<vmem>>, vector<1x16xf32>,
    %swap3A_192 = vector.shape_cast %swap3A_191 : vector<1x16xf32> to vector<16xf32>
    %swap3A_193 = vector.shape_cast %scan3A_168#3 : vector<16xf32> to vector<1x16xf32>
    tpu.vector_store %arg9[%swap3A_189, %swap3A_190], %swap3A_193 {strides = array<i32>} : memref<128x128xf32, #tpu.memory_space<vmem>>, vector<1x16xf32>,
    %swap3A_194 = arith.constant 127 : i32
    %swap3A_195 = arith.index_cast %swap3A_194 : i32 to index
    %swap3A_196 = arith.constant 64 : index
    %swap3A_197 = tpu.vector_load %arg9[%swap3A_195, %swap3A_196] {strides = array<i32>} : memref<128x128xf32, #tpu.memory_space<vmem>>, vector<1x16xf32>,
    %swap3A_198 = vector.shape_cast %swap3A_197 : vector<1x16xf32> to vector<16xf32>
    %swap3A_199 = vector.shape_cast %scan3A_168#4 : vector<16xf32> to vector<1x16xf32>
    tpu.vector_store %arg9[%swap3A_195, %swap3A_196], %swap3A_199 {strides = array<i32>} : memref<128x128xf32, #tpu.memory_space<vmem>>, vector<1x16xf32>,
    %swap3A_200 = arith.constant 127 : i32
    %swap3A_201 = arith.index_cast %swap3A_200 : i32 to index
    %swap3A_202 = arith.constant 80 : index
    %swap3A_203 = tpu.vector_load %arg9[%swap3A_201, %swap3A_202] {strides = array<i32>} : memref<128x128xf32, #tpu.memory_space<vmem>>, vector<1x16xf32>,
    %swap3A_204 = vector.shape_cast %swap3A_203 : vector<1x16xf32> to vector<16xf32>
    %swap3A_205 = vector.shape_cast %scan3A_168#5 : vector<16xf32> to vector<1x16xf32>
    tpu.vector_store %arg9[%swap3A_201, %swap3A_202], %swap3A_205 {strides = array<i32>} : memref<128x128xf32, #tpu.memory_space<vmem>>, vector<1x16xf32>,
    %swap3A_206 = arith.constant 127 : i32
    %swap3A_207 = arith.index_cast %swap3A_206 : i32 to index
    %swap3A_208 = arith.constant 96 : index
    %swap3A_209 = tpu.vector_load %arg9[%swap3A_207, %swap3A_208] {strides = array<i32>} : memref<128x128xf32, #tpu.memory_space<vmem>>, vector<1x16xf32>,
    %swap3A_210 = vector.shape_cast %swap3A_209 : vector<1x16xf32> to vector<16xf32>
    %swap3A_211 = vector.shape_cast %scan3A_168#6 : vector<16xf32> to vector<1x16xf32>
    tpu.vector_store %arg9[%swap3A_207, %swap3A_208], %swap3A_211 {strides = array<i32>} : memref<128x128xf32, #tpu.memory_space<vmem>>, vector<1x16xf32>,
    %swap3A_212 = arith.constant 127 : i32
    %swap3A_213 = arith.index_cast %swap3A_212 : i32 to index
    %swap3A_214 = arith.constant 112 : index
    %swap3A_215 = tpu.vector_load %arg9[%swap3A_213, %swap3A_214] {strides = array<i32>} : memref<128x128xf32, #tpu.memory_space<vmem>>, vector<1x16xf32>,
    %swap3A_216 = vector.shape_cast %swap3A_215 : vector<1x16xf32> to vector<16xf32>
    %swap3A_217 = vector.shape_cast %scan3A_168#7 : vector<16xf32> to vector<1x16xf32>
    tpu.vector_store %arg9[%swap3A_213, %swap3A_214], %swap3A_217 {strides = array<i32>} : memref<128x128xf32, #tpu.memory_space<vmem>>, vector<1x16xf32>,
    "tpu.region"() ({
      %run_scoped3A = tpu.sem_alloc : memref<!tpu.dma_semaphore, #tpu.memory_space<semaphore_mem>>
      %dma_start3A_218 = arith.constant 0 : i32
      %dma_start3A_219 = tpu.memref_slice %arg4[%multiple_of3A, %dma_start3A_218] : memref<4096x128xf32, #tpu.memory_space<hbm>> -> memref<128x128xf32, #tpu.memory_space<hbm>>
      %dma_start3A_220 = arith.constant 0 : i32
      %dma_start3A_221 = tpu.memref_slice %arg4[%multiple_of3A, %dma_start3A_220] : memref<4096x128xf32, #tpu.memory_space<hbm>> -> memref<128x128xf32, #tpu.memory_space<hbm>>
      tpu.enqueue_dma source(%arg9 : memref<128x128xf32, #tpu.memory_space<vmem>>) target(%dma_start3A_221 : memref<128x128xf32, #tpu.memory_space<hbm>>) target_semaphore(%run_scoped3A : memref<!tpu.dma_semaphore, #tpu.memory_space<semaphore_mem>>)
      %dma_wait3A_222 = arith.constant 0 : i32
      %dma_wait3A_223 = tpu.memref_slice %arg4[%multiple_of3A, %dma_wait3A_222] : memref<4096x128xf32, #tpu.memory_space<hbm>> -> memref<128x128xf32, #tpu.memory_space<hbm>>
      %dma_wait3A_224 = arith.constant 0 : i32
      %dma_wait3A_225 = tpu.memref_slice %arg4[%multiple_of3A, %dma_wait3A_224] : memref<4096x128xf32, #tpu.memory_space<hbm>> -> memref<128x128xf32, #tpu.memory_space<hbm>>
      tpu.wait_dma2 semaphore(%run_scoped3A : memref<!tpu.dma_semaphore, #tpu.memory_space<semaphore_mem>>) src(%arg9 : memref<128x128xf32, #tpu.memory_space<vmem>>) dst(%dma_wait3A_225 : memref<128x128xf32, #tpu.memory_space<hbm>>)
      tpu.yield
    }) : () -> ()
    return
  }
}

module attributes {stable_mosaic.version = 14 : i64} {
  func.func @_mlp_body(%arg0: memref<4096x128xf32, #tpu.memory_space<vmem>>, %arg1: memref<64x128xf32, #tpu.memory_space<vmem>>, %arg2: memref<1x64xf32, #tpu.memory_space<vmem>>, %arg3: memref<2x64xf32, #tpu.memory_space<vmem>>, %arg4: memref<1x2xf32, #tpu.memory_space<vmem>>, %arg5: memref<4096x2xf32, #tpu.memory_space<vmem>>) attributes {dimension_semantics = [], scalar_prefetch = 0 : i64, scratch_operands = 0 : i64, tpu.core_type = #tpu.core_type<tc>} {
    %get3A = arith.constant 0 : index
    %get3A_0 = arith.constant 0 : index
    %get3A_1 = vector.load %arg0[%get3A, %get3A_0] : memref<4096x128xf32, #tpu.memory_space<vmem>>, vector<4096x128xf32>
    %mul3A = arith.constant 5.000000e-03 : f32
    %mul3A_2 = vector.broadcast %mul3A : f32 to vector<4096x128xf32>
    %mul3A_3 = arith.mulf %get3A_1, %mul3A_2 : vector<4096x128xf32>
    %get3A_4 = arith.constant 0 : index
    %get3A_5 = arith.constant 0 : index
    %get3A_6 = vector.load %arg1[%get3A_4, %get3A_5] : memref<64x128xf32, #tpu.memory_space<vmem>>, vector<64x128xf32>
    %dot_general3A = arith.constant dense<0.000000e+00> : vector<4096x64xf32>
    %dot_general3A_7 = tpu.matmul %mul3A_3, %get3A_6, %dot_general3A {dimension_numbers = #tpu.dot_dimension_numbers<[1], [1], [0], [0], [0, 0, 1, 0], [], []>, transpose_lhs_hint = false} : vector<4096x128xf32>, vector<64x128xf32>, vector<4096x64xf32> -> vector<4096x64xf32>
    %get3A_8 = arith.constant 0 : index
    %get3A_9 = arith.constant 0 : index
    %get3A_10 = vector.load %arg2[%get3A_8, %get3A_9] : memref<1x64xf32, #tpu.memory_space<vmem>>, vector<1x64xf32>
    %add3A = vector.broadcast %get3A_10 : vector<1x64xf32> to vector<4096x64xf32>
    %add3A_11 = arith.addf %dot_general3A_7, %add3A : vector<4096x64xf32>
    %max3A = arith.constant 0.000000e+00 : f32
    %max3A_12 = vector.broadcast %max3A : f32 to vector<4096x64xf32>
    %max3A_13 = arith.maximumf %add3A_11, %max3A_12 : vector<4096x64xf32>
    %get3A_14 = arith.constant 0 : index
    %get3A_15 = arith.constant 0 : index
    %get3A_16 = vector.load %arg3[%get3A_14, %get3A_15] : memref<2x64xf32, #tpu.memory_space<vmem>>, vector<2x64xf32>
    %dot_general3A_17 = arith.constant dense<0.000000e+00> : vector<4096x2xf32>
    %dot_general3A_18 = tpu.matmul %max3A_13, %get3A_16, %dot_general3A_17 {dimension_numbers = #tpu.dot_dimension_numbers<[1], [1], [0], [0], [0, 0, 1, 0], [], []>, transpose_lhs_hint = false} : vector<4096x64xf32>, vector<2x64xf32>, vector<4096x2xf32> -> vector<4096x2xf32>
    %get3A_19 = arith.constant 0 : index
    %get3A_20 = arith.constant 0 : index
    %get3A_21 = vector.load %arg4[%get3A_19, %get3A_20] : memref<1x2xf32, #tpu.memory_space<vmem>>, vector<1x2xf32>
    %add3A_22 = vector.broadcast %get3A_21 : vector<1x2xf32> to vector<4096x2xf32>
    %add3A_23 = arith.addf %dot_general3A_18, %add3A_22 : vector<4096x2xf32>
    %swap3A = arith.constant 0 : index
    %swap3A_24 = arith.constant 0 : index
    %swap3A_25 = vector.load %arg5[%swap3A, %swap3A_24] : memref<4096x2xf32, #tpu.memory_space<vmem>>, vector<4096x2xf32>
    tpu.vector_store %arg5[%swap3A, %swap3A_24], %add3A_23 {strides = array<i32>} : memref<4096x2xf32, #tpu.memory_space<vmem>>, vector<4096x2xf32>,
    return
  }
}

</mosaic_0001>

<sc_bundles>
// kernel: kernel.4.cloned.1.call-start
scs
__scs_entry_jumppad:
0x0: {  	(pc) =	sbr.rel $0x88, $3  }
0x1: {  	(tag) =	ssettag $0x0;
	lr =	simm.s32 $0x1  }
0x2: {  	[smem:$0x3F9B] =	sst lr;
	_ =	strace $0xD0000000  }
0x3: {  	_ = 	snop  }
0x4: {  	_ = 	snop  }
0x5: {  	_ = 	snop  }
0x6: {  	_ = 	snop  }
0x7: {  	_ = 	snop  }
__scs_overlays_trampoline_lowered:
0x8: {  	[smem:$0x3FAA] =	sst s0  }
0x9: {  	[smem:$0x3FAB] =	sst s1  }
0xa: {  	[smem:$0x3FAC] =	sst s2  }
0xb: {  	[smem:$0x3FAD] =	sst s3  }
0xc: {  	[smem:$0x3FAE] =	sst s4  }
0xd: {  	[smem:$0x3FAF] =	sst s5  }
0xe: {  	[smem:$0x3FB0] =	sst s6  }
0xf: {  	[smem:$0x3FB1] =	sst s7  }
0x10: {  	[smem:$0x3FB2] =	sst s8  }
0x11: {  	[smem:$0x3FB3] =	sst s9;
	s0 =	simm.s32 @!p0 $0x0  }
0x12: {  	s1 =	sld [smem:$0x3F99];
	s0 =	simm.s32 @p0 $0x1  }
0x13: {  	[smem:$0x3FB4] =	sst s0;
	s0 =	simm.s32 @!p1 $0x0  }
0x14: {  	s2 =	sld [smem:$0x3F98];
	s0 =	simm.s32 @p1 $0x1  }
0x15: {  	[smem:$0x3FB5] =	sst s0;
	s0 =	simm.s32 @!p2 $0x0  }
0x16: {  	s3 =	sld [smem:$0x3FDB];
	s0 =	simm.s32 @p2 $0x1  }
0x17: {  	s4 =	simm.s32 $0x1BF5;
	[smem:$0x3FB7] =	sst s0  }
0x18: {  	s0 =	sld [smem:$0x3F9A];
	_ =	swait.ge [sflag:s4], $0x0  }
0x19: {  	s7 =	sld [smem:$0x3F9B]  }
0x1a: {  	s8 =	sadd.s32 $0xFFFFE003, lr  }
0x1b: {  	s9 =	sadd.s32 $0xFFFFFEF7, lr;
	s5 =	simm.s32 $0xFFFFFFFF;
	p2 =	slt.u32 s8, $0xFFFFF086  }
0x1c: {  	p1 =	slt.u32 s9, $0xF7A;
	s5 =	simm.s32 @!p2 $0x0  }
0x1d: {  	s5 =	simm.s32 @p1 $0x1;
	p0 =	seq.s32 s7, s2  }
0x1e: {  	s7 =	smul.u32 @!p0 $0xF7A, s2;
	p2 =	seq.s32 @!p0 s5, $0x0  }
0x1f: {  	s9 =	smul.u32 $0xF7A, s1;
	s8 =	simm.s32 @!p0 $0x1BF5;
	p2 =	por !p2, p0  }
0x20: {  	[sflag:s8] =	ssyncset.s32 @!p0 $0xFFFFF086;
	s6 =	sadd.s32 @!p0 s3, s7;
	s7 =	simm.s32 @!p0 $0x108  }
0x21: {  	s3 =	sadd.s32 s3, s9;
	s6 =	sadd.s32 @!p0 $0x88, s6;
	s7 =	simm.s32 @p2 $0x1082  }
0x22: {  	[simem:s7], [sflag:s8] =	dma.local @!p0 [hbm:s6], $0xF7A  }
0x23: {  	s9 =	sor.u32 $0xD0000000, s2;
	s6 =	simm.s32 $0x108;
	_ =	swait.ge @!p0 [sflag:s8], $0x0  }
0x24: {  	s3 =	sadd.s32 $0x88, s3;
	s6 =	simm.s32 @!p1 $0x1082;
	[sflag:s4] =	ssyncset.s32 $0xFFFFF086  }
0x25: {  	[simem:s6], [sflag:s4] =	dma.local [hbm:s3], $0xF7A  }
0x26: {  	[smem:$0x3F9B] =	sst s1;
	(tag) =	ssettag s2;
	_ =	strace s9  }
0x27: {  	s1 =	sld [smem:$0x3FAB]  }
0x28: {  	s2 =	sld [smem:$0x3FAC]  }
0x29: {  	s4 =	sld [smem:$0x3FAE]  }
0x2a: {  	p0 =	seq.s32 s5, $0x0;
	s5 =	sld [smem:$0x3FAF]  }
0x2b: {  	s6 =	sld [smem:$0x3FB0]  }
0x2c: {  	s7 =	sld [smem:$0x3FB1]  }
0x2d: {  	s3 =	simm.s32 $0x108;
	s8 =	sld [smem:$0x3FB2]  }
0x2e: {  	s3 =	simm.s32 @!p0 $0x1082;
	s9 =	sld [smem:$0x3FB3]  }
0x2f: {  	lr =	sadd.s32 s0, s3;
	s0 =	sld [smem:$0x3FAA]  }
0x30: {  	s3 =	sld [smem:$0x3FAD]  }
0x31: {  	[smem:$0x3FB6] =	sst s10  }
0x32: {  	s10 =	sld [smem:$0x3FB4];
	_ =	sdelay $0x3  }
0x33: {  	p0 =	seq.s32 s10, $0x1;
	s10 =	sld [smem:$0x3FB6];
	_ =	sdelay $0x3  }
0x34: {  	[smem:$0x3FB6] =	sst s10  }
0x35: {  	s10 =	sld [smem:$0x3FB5];
	_ =	sdelay $0x3  }
0x36: {  	p1 =	seq.s32 s10, $0x1;
	s10 =	sld [smem:$0x3FB6];
	_ =	sdelay $0x3  }
0x37: {  	[smem:$0x3FB6] =	sst s10  }
0x38: {  	s10 =	sld [smem:$0x3FB7]  }
0x39: {  	_ = 	snop;
	(pc) =	sbr.ind lr, $3  }
0x3a: {  	_ = 	snop  }
0x3b: {  	_ = 	snop  }
0x3c: {  	p2 =	seq.s32 s10, $0x1;
	s10 =	sld [smem:$0x3FB6]  }
0x3d: {  	_ =	shalt  }
0x3e: {  	_ =	shalt  }
0x3f: {  	_ =	shalt  }
0x40: {  	_ =	shalt  }
0x41: {  	_ =	shalt  }
0x42: {  	_ =	shalt  }
0x43: {  	_ =	shalt  }
0x44: {  	_ =	shalt  }
0x45: {  	_ =	shalt  }
0x46: {  	_ =	shalt  }
0x47: {  	_ =	shalt  }
0x48: {  	_ =	shalt  }
0x49: {  	_ =	shalt  }
0x4a: {  	_ =	shalt  }
0x4b: {  	_ =	shalt  }
0x4c: {  	_ =	shalt  }
0x4d: {  	_ =	shalt  }
0x4e: {  	_ =	shalt  }
0x4f: {  	_ =	shalt  }
0x50: {  	_ =	shalt  }
0x51: {  	_ =	shalt  }
0x52: {  	_ =	shalt  }
0x53: {  	_ =	shalt  }
0x54: {  	_ =	shalt  }
0x55: {  	_ =	shalt  }
0x56: {  	_ =	shalt  }
0x57: {  	_ =	shalt  }
0x58: {  	_ =	shalt  }
0x59: {  	_ =	shalt  }
0x5a: {  	_ =	shalt  }
0x5b: {  	_ =	shalt  }
0x5c: {  	_ =	shalt  }
0x5d: {  	_ =	shalt  }
0x5e: {  	_ =	shalt  }
0x5f: {  	_ =	shalt  }
0x60: {  	_ =	shalt  }
0x61: {  	_ =	shalt  }
0x62: {  	_ =	shalt  }
0x63: {  	_ =	shalt  }
0x64: {  	_ =	shalt  }
0x65: {  	_ =	shalt  }
0x66: {  	_ =	shalt  }
0x67: {  	_ =	shalt  }
0x68: {  	_ =	shalt  }
0x69: {  	_ =	shalt  }
0x6a: {  	_ =	shalt  }
0x6b: {  	_ =	shalt  }
0x6c: {  	_ =	shalt  }
0x6d: {  	_ =	shalt  }
0x6e: {  	_ =	shalt  }
0x6f: {  	_ =	shalt  }
0x70: {  	_ =	shalt  }
0x71: {  	_ =	shalt  }
0x72: {  	_ =	shalt  }
0x73: {  	_ =	shalt  }
0x74: {  	_ =	shalt  }
0x75: {  	_ =	shalt  }
0x76: {  	_ =	shalt  }
0x77: {  	_ =	shalt  }
0x78: {  	_ =	shalt  }
0x79: {  	_ =	shalt  }
0x7a: {  	_ =	shalt  }
0x7b: {  	_ =	shalt  }
0x7c: {  	_ =	shalt  }
0x7d: {  	_ =	shalt  }
0x7e: {  	_ =	shalt  }
0x7f: {  	_ =	shalt  }
0x80: {  	_ =	shalt  }
0x81: {  	_ =	shalt  }
0x82: {  	_ =	shalt  }
0x83: {  	_ =	shalt  }
0x84: {  	_ =	shalt  }
0x85: {  	_ =	shalt  }
0x86: {  	_ =	shalt  }
0x87: {  	_ =	shalt  }
.Lfunc_end0:
.L_simem_size_0:
called_computation_lowered:
.L_overlay_start_0:
0x88: {  	s2 =	sld [smem:$0x3FD9]  }
0x89: {  	s3 =	sld [smem:$0x3FFE];
	_ =	sdelay $0x1  }
0x8a: {  	s1 =	srdreg.scid  }
0x8b: {  	s0 =	sand.u32 $0x1, s1  }
0x8c: {  	s17 =	sshll.u32 s0, $0xA;
	s2 =	sadd.s32 s3, s2  }
0x8d: {  	s2 =	sadd.s32 s2, s17  }
0x8e: {  	[smem:$0x3FC2] =	sst s2  }
0x8f: {  	_ = 	snop  }
0x90: {  	s2 =	sld [smem:$0x3FC8];
	(tm) =	ssettm $0x1  }
0x91: {  	s18 =	sld [smem:$0x3FFB];
	_ =	sdelay $0x3  }
0x92: {  	_ =	strace s18  }
0x93: {  	s3 =	sld [smem:$0x3FFC];
	_ =	sdelay $0x3  }
0x94: {  	_ =	strace s3  }
0x95: {  	s3 =	sld [smem:$0x3FFD];
	_ =	sdelay $0x3  }
0x96: {  	_ =	strace s3  }
0x97: {  	_ =	strace $0x8FFFFFFF  }
0x98: {  	s19 =	sld [smem:$0x3FDB];
	_ =	sdelay $0x1  }
0x99: {  	s4 =	simm.s32 $_scs_section_size  }
0x9a: {  	s5 =	simm.s32 $_size__tile_overlayer_lowered;
	s6 =	simm.s32 $_tile_overlayer_lowered  }
0x9b: {  	s22 =	simm.s32 $0x1BFF;
	s21 =	sshll.u32 s6, $0x1;
	s3 =	sadd.s32 s4, s19  }
0x9c: {  	s7 =	simm.s32 $0x0;
	s20 =	sshll.u32 s5, $0x1;
	s5 =	sadd.s32 s21, s3  }
0x9d: {  	[timem:s7], [sflag:s22] =	dma.local [hbm:s5], s20  }
0x9e: {  	_ =	swait.ge [sflag:s22], s20  }
0x9f: {  	s4 =	ssub.s32 $0x0, s20;
	[sflag:s22] =	ssyncset.done $0x0  }
0xa0: {  	[sflag:s22] =	ssyncadd.s32 s4;
	_ =	sdelay $0x1  }
0xa1: {  	s23 =	simm.s32 $0x1B8B  }
0xa2: {  	_ =	swait.ge [sflag:s23], $0x1  }
0xa3: {  	[sflag:s23] =	ssyncset.done $0x0  }
0xa4: {  	s25 =	simm.s32 $0x1B8E;
	s24 =	sld [smem:$0x3FFE];
	[sflag:s23] =	ssyncadd.s32 $0xFFFFFFFF  }
0xa5: {  	s26 =	simm.s32 $execute0_lowered;
	[smem:$0x3FD2] =	sst s25  }
0xa6: {  	s5 =	sshll.u32 s26, $0x1;
	_ =	strace $0x80000046;
	[dreg:$0x1] =	wrdreg $0xFFFFFFFF  }
0xa7: {  	s28 =	simm.s32 $_size_execute0_lowered;
	s3 =	sadd.s32 s3, s5;
	[dreg:$0x0] =	wrdreg $0x0  }
0xa8: {  	s5 =	sshll.u32 s28, $0x1;
	[dreg:$0x2] =	wrdreg s3  }
0xa9: {  	[dreg:$0x3] =	wrdreg s5  }
0xaa: {  	[dreg:$0x4] =	wrdreg $0xC0  }
0xab: {  	_ =	task [dreg:s7], $0x5FFFF  }
0xac: {  	[dreg:$0x1] =	wrdreg $0xFFFFFFFF  }
0xad: {  	[dreg:$0x0] =	wrdreg $0x60  }
0xae: {  	[dreg:$0x2] =	wrdreg s24  }
0xaf: {  	[dreg:$0x3] =	wrdreg s2  }
0xb0: {  	[dreg:$0x4] =	wrdreg $0x9  }
0xb1: {  	_ =	task.clear_ibuf [dreg:s7], $0x5FFFF;
	_ =	strace $0x90000046  }
0xb2: {  	s29 =	simm.s32 $0x9;
	_ =	strace $0x80000048  }
0xb3: {  	_ =	swait.ge [sflag:s29], $0x1  }
0xb4: {  	[sflag:s29] =	ssyncadd.s32 $0xFFFFFFFF  }
0xb5: {  	_ =	strace $0x90000048  }
0xb6: {  	_ =	sfence  }
0xb7: {  	s30 =	sld [smem:$0x0];
	_ =	sdelay $0x2  }
0xb8: {  	s31 =	sshll.u32 s1, $0xD;
	s1 =	sshrl.u32 s1, $0x2  }
0xb9: {  	s3 =	sand.u32 $0x4000, s31;
	s1 =	sadd.s32 s1, s30  }
0xba: {  	s0 =	sor.u32 s3, s0;
	s1 =	sshll.u32 s1, $0x11  }
0xbb: {  	s0 =	sor.u32 s1, s0  }
0xbc: {  	s0 =	sadd.s32 $0x8F2B, s0  }
0xbd: {  	[sflag:s0] =	ssyncadd.remote.s32 $0x1  }
0xbe: {  	_ =	sfence.sel $0xFFFF  }
0xbf: {  	[dreg:$0x0] =	wrdreg $0xFFFFFFFF;
	(pc) =	sbr.abs _section_cstart, $3  }
0xc0: {  	[dreg:$0x1] =	wrdreg $0xFFFFFFFF  }
0xc1: {  	_ =	task.clear_ibuf [dreg:s7], $0x2FFFF;
	_ =	strace $0x9FFFFFFF  }
0xc2: {  	(tm) =	ssettm $0x7FFFFFFF  }
0xc3: {  	_ =	shalt  }
tec
execute0_lowered:
.L_overlay_start_1:
0x0: {  	(tag) =	ssettag $0x1  }
0x1: {  	s1 =	srdreg.scid;
	s4 =	rddreg [dreg:$0x0]  }
0x2: {  	s0 =	stileid.u32;
	s2 =	rddreg [dreg:$0x1];
	s3 =	simm.s32 $0x0  }
0x3: {  	s9 =	simm.s32 $0x6400;
	s10 =	simm.s32 $0x60;
	s11 =	simm.s32 $0x9800  }
0x4: {  	s12 =	simm.s32 $0xC8;
	s13 =	simm.s32 $0xC800;
	s14 =	simm.s32 $0x130  }
0x5: {  	s15 =	simm.s32 $0xFC00;
	s16 =	simm.s32 $0x12C00;
	s17 =	simm.s32 $0x16000  }
0x6: {  	s18 =	simm.s32 $0x1;
	s19 =	simm.s32 $0x2;
	s20 =	simm.s32 $0x3  }
0x7: {  	s21 =	simm.s32 $0x19000;
	s22 =	simm.s32 $0x0;
	s5 =	sand.u32 $0x1, s1  }
0x8: {  	s6 =	sshll.u32 s0, $0x8;
	s1 =	rddreg [dreg:$0x2];
	s7 =	sshll.u32 s5, $0x7  }
0x9: {  	[smem:$0x7FF] =	sst s3;
	s5 =	ssub.s32 $0x2, s5;
	s6 =	sor.u32 s7, s6  }
0xa: {  	s8 =	sshrl.u32 s5, $0x1;
	s7 =	smul.u32 $0x19, s6;
	s6 =	sshll.u32 s6, $0x4  }
0xb: {  	_ =	strace $0x80000047;
	s8 =	ssub.s32 s5, s8;
	s6 =	sadd.s32 s6, s4  }
0xc: {  	s7 =	sadd.s32 s7, s4;
	s5 =	sadd.s32 $0x19E00, s6;
	s6 =	smax.u32 s8, $0x1  }
0xd: {  	s8 =	simm.s32 $0x68;
	s4 =	sadd.s32 $0xE00, s7;
	s7 =	simm.s32 $0x4  }
.LBB2_1:
0xe: {  	[tilespmem:s3], [sflag:$0x4] =	stream.linear.gather [hbm4b:s4+s3], $0x6400, $0x38;
	[tilespmem:$0x1D000] =	vst v63  }
0xf: {  	_ =	swait.ge [sflag:s7], $0x6400  }
0x10: {  	[sflag:s7] =	ssyncset.done $0x0  }
0x11: {  	[sflag:s7] =	ssyncadd.s32 $0xFFFF9C00  }
0x12: {  	[tilespmem:s9], [sflag:$0x1] =	stream.indirect.gather [hbm4b:s2+s8], $0x80, s3, s8, $0xb8;
	[tilespmem:$0x1D000] =	vst v63  }
0x13: {  	_ = 	snop  }
0x14: {  	[tilespmem:s11], [sflag:$0x1] =	stream.indirect.gather [hbm4b:s2+s10], $0x80, s8, s10, $0xb8;
	[tilespmem:$0x1D000] =	vst v63  }
0x15: {  	_ = 	snop  }
0x16: {  	[tilespmem:s13], [sflag:$0x2] =	stream.indirect.gather [hbm4b:s2+s8], $0x80, s12, s8, $0xb8;
	[tilespmem:$0x1D000] =	vst v63  }
0x17: {  	s23 =	simm.s32 $0x0  }
0x18: {  	[tilespmem:s15], [sflag:$0x2] =	stream.indirect.gather [hbm4b:s2+s10], $0x80, s14, s10, $0xb8;
	[tilespmem:$0x1D000] =	vst v63  }
.LBB2_2:
0x19: {  	s24 =	smul.u32 $0x3, s23;
	_ =	sdelay $0x1  }
0x1a: {  	s24 =	sadd.s32 $0x2, s24  }
0x1b: {  	s25 =	smul.u32 $0x320, s24;
	_ =	sdelay $0x1  }
0x1c: {  	s25 =	sshra.s32 s25, $0x2  }
0x1d: {  	[tilespmem:s16], [sflag:$0x3] =	stream.indirect.gather [hbm4b:s2+s8], $0x80, s25, s8, $0xb8;
	[tilespmem:$0x1D000] =	vst v63  }
0x1e: {  	s25 =	sadd.s32 $0x68, s25  }
0x1f: {  	[tilespmem:s17], [sflag:$0x3] =	stream.indirect.gather [hbm4b:s2+s10], $0x80, s25, s10, $0xb8;
	[tilespmem:$0x1D000] =	vst v63  }
0x20: {  	_ =	swait.ge [sflag:s18], $0x3400  }
0x21: {  	[sflag:s18] =	ssyncset.done $0x0  }
0x22: {  	[sflag:s18] =	ssyncadd.s32 $0xFFFFCC00  }
0x23: {  	_ =	swait.ge [sflag:s18], $0x3000  }
0x24: {  	[sflag:s18] =	ssyncset.done $0x0  }
0x25: {  	s25 =	simm.s32 $0x0;
	[sflag:s18] =	ssyncadd.s32 $0xFFFFD000  }
0x26: {  	v3 =	vld [tilespmem:s25+$0x6580]  }
0x27: {  	v4 =	vld [tilespmem:s25+$0x6590]  }
0x28: {  	v5 =	vld [tilespmem:s25+$0x65A0]  }
0x29: {  	v6 =	vld [tilespmem:s25+$0x65B0]  }
0x2a: {  	v0 =	vld [tilespmem:s25+$0x65C0]  }
0x2b: {  	v1 =	vld [tilespmem:s25+$0x65D0]  }
0x2c: {  	v13 =	vld [tilespmem:s25+$0x6500]  }
0x2d: {  	v15 =	vld [tilespmem:s25+$0x6510]  }
0x2e: {  	v12 =	vld [tilespmem:s25+$0x6520]  }
0x2f: {  	v14 =	vld [tilespmem:s25+$0x6530]  }
0x30: {  	v2 =	vld [tilespmem:s25+$0x6540]  }
0x31: {  	v9 =	vld [tilespmem:s25+$0x6480]  }
0x32: {  	v10 =	vld [tilespmem:s25+$0x6490]  }
0x33: {  	v11 =	vld [tilespmem:s25+$0x6400]  }
0x34: {  	v17 =	vld [tilespmem:s25+$0x6410]  }
0x35: {  	v18 =	vld [tilespmem:s25+$0x6420]  }
0x36: {  	v19 =	vld [tilespmem:s25+$0x6430]  }
0x37: {  	v20 =	vld [tilespmem:s25+$0x64A0]  }
0x38: {  	v24 =	vld [tilespmem:s25+$0x64B0]  }
0x39: {  	v8 =	vimm.f32 $0.0e+00;
	v7 =	vld [tilespmem:s25+$0x6550]  }
0x3a: {  	v16 =	vld [tilespmem:s25+$0x64C0];
	v11 =	vadd.f32 v11, v8;
	v22 =	vadd.f32 v17, v8  }
0x3b: {  	v17 =	vld [tilespmem:s25+$0x64D0];
	v23 =	vadd.f32 v18, v8;
	v25 =	vadd.f32 v19, v8  }
0x3c: {  	v18 =	vld [tilespmem:s25+$0x6440];
	v21 =	vadd.f32 v9, v11;
	v22 =	vadd.f32 v10, v22  }
0x3d: {  	v19 =	vld [tilespmem:s25+$0x6450];
	v23 =	vadd.f32 v20, v23;
	v24 =	vadd.f32 v24, v25  }
0x3e: {  	s26 =	simm.s32 $0x800;
	v20 =	vld [tilespmem:s25+$0x6460];
	v11 =	vimm.f32 $0.0e+00;
	v10 =	vimm.f32 $0.0e+00;
	v9 =	vimm.f32 $0.0e+00  }
.LBB2_3:
0x3f: {  	p0 =	sne.s32 s26, $0x18800;
	v25 =	vld [tilespmem:s25+$0x6470];
	v13 =	vadd.f32 v13, v21;
	v15 =	vadd.f32 v15, v22  }
0x40: {  	v21 =	vld [tilespmem:s25+$0x64E0];
	v12 =	vadd.f32 v12, v23;
	v14 =	vadd.f32 v14, v24  }
0x41: {  	v22 =	vld [tilespmem:s25+$0x64F0];
	v23 =	vadd.f32 v3, v13;
	v24 =	vadd.f32 v4, v15  }
0x42: {  	v13 =	vld [tilespmem:s25+$0x6560];
	v26 =	vadd.f32 v5, v12;
	v27 =	vadd.f32 v6, v14  }
0x43: {  	v3 =	vadd.f32 v18, v8;
	v4 =	vadd.f32 v19, v11;
	v6 =	vld [tilespmem:s25+$0x6570]  }
0x44: {  	v5 =	vadd.f32 v20, v10;
	v8 =	vadd.f32 v25, v9;
	v9 =	vld [tilespmem:s25+$0x65E0]  }
0x45: {  	v10 =	vadd.f32 v16, v3;
	v11 =	vadd.f32 v17, v4;
	v12 =	vld [tilespmem:s25+$0x65F0];
	s25 =	sshra.s32 s26, $0x2  }
0x46: {  	v14 =	vadd.f32 v21, v5;
	v3 =	vld [tilespmem:s25+$0x6580];
	v8 =	vadd.f32 v22, v8  }
0x47: {  	v2 =	vadd.f32 v2, v10;
	v7 =	vadd.f32 v7, v11;
	v4 =	vld [tilespmem:s25+$0x6590]  }
0x48: {  	v10 =	vadd.f32 v13, v14;
	v5 =	vld [tilespmem:s25+$0x65A0];
	v13 =	vadd.f32 v6, v8  }
0x49: {  	v8 =	vadd.f32 v0, v2;
	v11 =	vadd.f32 v1, v7;
	v6 =	vld [tilespmem:s25+$0x65B0]  }
0x4a: {  	v10 =	vadd.f32 v9, v10;
	v0 =	vld [tilespmem:s25+$0x65C0];
	v9 =	vadd.f32 v12, v13  }
0x4b: {  	v1 =	vld [tilespmem:s25+$0x65D0]  }
0x4c: {  	v13 =	vld [tilespmem:s25+$0x6500]  }
0x4d: {  	v15 =	vld [tilespmem:s25+$0x6510]  }
0x4e: {  	v12 =	vld [tilespmem:s25+$0x6520]  }
0x4f: {  	v14 =	vld [tilespmem:s25+$0x6530]  }
0x50: {  	v2 =	vld [tilespmem:s25+$0x6540]  }
0x51: {  	v7 =	vld [tilespmem:s25+$0x6550]  }
0x52: {  	v20 =	vld [tilespmem:s25+$0x6480]  }
0x53: {  	v22 =	vld [tilespmem:s25+$0x6490]  }
0x54: {  	v17 =	vld [tilespmem:s25+$0x6400]  }
0x55: {  	v18 =	vld [tilespmem:s25+$0x6410]  }
0x56: {  	v19 =	vld [tilespmem:s25+$0x6420]  }
0x57: {  	v21 =	vld [tilespmem:s25+$0x6430]  }
0x58: {  	v25 =	vld [tilespmem:s25+$0x64A0]  }
0x59: {  	v28 =	vld [tilespmem:s25+$0x64B0]  }
.Ltmp0:
0x5a: {  	v16 =	vld [tilespmem:s25+$0x64C0];
	(pc) =	sbr.rel @p0 .LBB2_3-.Ltmp0, $4  }
0x5b: {  	v23 =	vadd.f32 v17, v23;
	v24 =	vadd.f32 v18, v24;
	v17 =	vld [tilespmem:s25+$0x64D0]  }
0x5c: {  	v26 =	vadd.f32 v19, v26;
	v27 =	vadd.f32 v21, v27;
	v18 =	vld [tilespmem:s25+$0x6440]  }
0x5d: {  	v21 =	vadd.f32 v20, v23;
	v22 =	vadd.f32 v22, v24;
	v19 =	vld [tilespmem:s25+$0x6450]  }
0x5e: {  	s26 =	sadd.s32 $0x800, s26;
	v23 =	vadd.f32 v25, v26;
	v20 =	vld [tilespmem:s25+$0x6460];
	v24 =	vadd.f32 v28, v27  }
0x5f: {  	v25 =	vld [tilespmem:s25+$0x6470];
	v13 =	vadd.f32 v13, v21;
	v15 =	vadd.f32 v15, v22  }
0x60: {  	v21 =	vld [tilespmem:s25+$0x64E0];
	v12 =	vadd.f32 v12, v23;
	v14 =	vadd.f32 v14, v24  }
0x61: {  	v22 =	vld [tilespmem:s25+$0x64F0];
	v3 =	vadd.f32 v3, v13;
	v4 =	vadd.f32 v4, v15  }
0x62: {  	v13 =	vld [tilespmem:s25+$0x6560];
	v8 =	vadd.f32 v18, v8;
	v5 =	vadd.f32 v5, v12  }
0x63: {  	s26 =	smul.u32 $0x600, s23;
	v15 =	vld [tilespmem:s25+$0x65F0];
	v6 =	vadd.f32 v6, v14;
	v11 =	vadd.f32 v19, v11  }
0x64: {  	v12 =	vld [tilespmem:s25+$0x6570];
	v10 =	vadd.f32 v20, v10;
	v8 =	vadd.f32 v16, v8  }
0x65: {  	v14 =	vld [tilespmem:s25+$0x65E0];
	s25 =	sshra.s32 s26, $0x2;
	v9 =	vadd.f32 v25, v9;
	v11 =	vadd.f32 v17, v11  }
0x66: {  	[tilespmem:s25+$0x19000] =	vst v3;
	v10 =	vadd.f32 v21, v10;
	v2 =	vadd.f32 v2, v8  }
0x67: {  	[tilespmem:s25+$0x19010] =	vst v4;
	v3 =	vadd.f32 v22, v9;
	v7 =	vadd.f32 v7, v11  }
0x68: {  	[tilespmem:s25+$0x19020] =	vst v5;
	v4 =	vadd.f32 v13, v10;
	v0 =	vadd.f32 v0, v2  }
0x69: {  	[tilespmem:s25+$0x19030] =	vst v6;
	v2 =	vadd.f32 v12, v3;
	v1 =	vadd.f32 v1, v7  }
0x6a: {  	s31 =	smul.u32 $0x960, s23;
	v3 =	vadd.f32 v14, v4;
	[tilespmem:s25+$0x19040] =	vst v0  }
0x6b: {  	v0 =	vadd.f32 v15, v2;
	[tilespmem:s25+$0x19050] =	vst v1  }
0x6c: {  	s26 =	sshra.s32 s31, $0x2;
	[tilespmem:s25+$0x19060] =	vst v3  }
0x6d: {  	s28 =	sadd.s32 $0x258, s26;
	[tilespmem:s25+$0x19070] =	vst v0  }
0x6e: {  	[tilespmem:s9], [sflag:$0x1] =	stream.indirect.gather [hbm4b:s2+s8], $0x80, s28, s8, $0xb8;
	[tilespmem:$0x1D000] =	vst v63  }
0x6f: {  	s28 =	sadd.s32 $0x2C0, s26  }
0x70: {  	[tilespmem:s11], [sflag:$0x1] =	stream.indirect.gather [hbm4b:s2+s10], $0x80, s28, s10, $0xb8;
	[tilespmem:$0x1D000] =	vst v63  }
0x71: {  	_ =	swait.ge [sflag:s19], $0x3400  }
0x72: {  	[sflag:s19] =	ssyncset.done $0x0  }
0x73: {  	[sflag:s19] =	ssyncadd.s32 $0xFFFFCC00  }
0x74: {  	_ =	swait.ge [sflag:s19], $0x3000  }
0x75: {  	[sflag:s19] =	ssyncset.done $0x0  }
0x76: {  	s28 =	simm.s32 $0x0;
	[sflag:s19] =	ssyncadd.s32 $0xFFFFD000  }
0x77: {  	v2 =	vld [tilespmem:s28+$0xC980]  }
0x78: {  	v4 =	vld [tilespmem:s28+$0xC990]  }
0x79: {  	v5 =	vld [tilespmem:s28+$0xC9A0]  }
0x7a: {  	v6 =	vld [tilespmem:s28+$0xC9B0]  }
0x7b: {  	v0 =	vld [tilespmem:s28+$0xC9C0]  }
0x7c: {  	v1 =	vld [tilespmem:s28+$0xC9D0]  }
0x7d: {  	v13 =	vld [tilespmem:s28+$0xC900]  }
0x7e: {  	v15 =	vld [tilespmem:s28+$0xC910]  }
0x7f: {  	v12 =	vld [tilespmem:s28+$0xC920]  }
0x80: {  	v14 =	vld [tilespmem:s28+$0xC930]  }
0x81: {  	v3 =	vld [tilespmem:s28+$0xC940]  }
0x82: {  	v9 =	vld [tilespmem:s28+$0xC880]  }
0x83: {  	v10 =	vld [tilespmem:s28+$0xC890]  }
0x84: {  	v11 =	vld [tilespmem:s28+$0xC800]  }
0x85: {  	v17 =	vld [tilespmem:s28+$0xC810]  }
0x86: {  	v18 =	vld [tilespmem:s28+$0xC820]  }
0x87: {  	v19 =	vld [tilespmem:s28+$0xC830]  }
0x88: {  	v20 =	vld [tilespmem:s28+$0xC8A0]  }
0x89: {  	v24 =	vld [tilespmem:s28+$0xC8B0]  }
0x8a: {  	v8 =	vimm.f32 $0.0e+00;
	v7 =	vld [tilespmem:s28+$0xC950]  }
0x8b: {  	v16 =	vld [tilespmem:s28+$0xC8C0];
	v11 =	vadd.f32 v11, v8;
	v22 =	vadd.f32 v17, v8  }
0x8c: {  	v17 =	vld [tilespmem:s28+$0xC8D0];
	v23 =	vadd.f32 v18, v8;
	v25 =	vadd.f32 v19, v8  }
0x8d: {  	v18 =	vld [tilespmem:s28+$0xC840];
	v21 =	vadd.f32 v9, v11;
	v22 =	vadd.f32 v10, v22  }
0x8e: {  	v19 =	vld [tilespmem:s28+$0xC850];
	v23 =	vadd.f32 v20, v23;
	v24 =	vadd.f32 v24, v25  }
0x8f: {  	s29 =	simm.s32 $0x800;
	v20 =	vld [tilespmem:s28+$0xC860];
	v11 =	vimm.f32 $0.0e+00;
	v10 =	vimm.f32 $0.0e+00;
	v9 =	vimm.f32 $0.0e+00  }
.LBB2_5:
0x90: {  	p0 =	sne.s32 s29, $0x18800;
	v25 =	vld [tilespmem:s28+$0xC870];
	v13 =	vadd.f32 v13, v21;
	v15 =	vadd.f32 v15, v22  }
0x91: {  	v21 =	vld [tilespmem:s28+$0xC8E0];
	v12 =	vadd.f32 v12, v23;
	v14 =	vadd.f32 v14, v24  }
0x92: {  	v22 =	vld [tilespmem:s28+$0xC8F0];
	v23 =	vadd.f32 v2, v13;
	v24 =	vadd.f32 v4, v15  }
0x93: {  	v13 =	vld [tilespmem:s28+$0xC960];
	v26 =	vadd.f32 v5, v12;
	v27 =	vadd.f32 v6, v14  }
0x94: {  	v2 =	vadd.f32 v18, v8;
	v4 =	vadd.f32 v19, v11;
	v6 =	vld [tilespmem:s28+$0xC970]  }
0x95: {  	v5 =	vadd.f32 v20, v10;
	v8 =	vadd.f32 v25, v9;
	v9 =	vld [tilespmem:s28+$0xC9E0]  }
0x96: {  	v10 =	vadd.f32 v16, v2;
	v11 =	vadd.f32 v17, v4;
	v12 =	vld [tilespmem:s28+$0xC9F0];
	s28 =	sshra.s32 s29, $0x2  }
0x97: {  	v14 =	vadd.f32 v21, v5;
	v2 =	vld [tilespmem:s28+$0xC980];
	v8 =	vadd.f32 v22, v8  }
0x98: {  	v3 =	vadd.f32 v3, v10;
	v7 =	vadd.f32 v7, v11;
	v4 =	vld [tilespmem:s28+$0xC990]  }
0x99: {  	v10 =	vadd.f32 v13, v14;
	v5 =	vld [tilespmem:s28+$0xC9A0];
	v13 =	vadd.f32 v6, v8  }
0x9a: {  	v8 =	vadd.f32 v0, v3;
	v11 =	vadd.f32 v1, v7;
	v6 =	vld [tilespmem:s28+$0xC9B0]  }
0x9b: {  	v10 =	vadd.f32 v9, v10;
	v0 =	vld [tilespmem:s28+$0xC9C0];
	v9 =	vadd.f32 v12, v13  }
0x9c: {  	v1 =	vld [tilespmem:s28+$0xC9D0]  }
0x9d: {  	v13 =	vld [tilespmem:s28+$0xC900]  }
0x9e: {  	v15 =	vld [tilespmem:s28+$0xC910]  }
0x9f: {  	v12 =	vld [tilespmem:s28+$0xC920]  }
0xa0: {  	v14 =	vld [tilespmem:s28+$0xC930]  }
0xa1: {  	v3 =	vld [tilespmem:s28+$0xC940]  }
0xa2: {  	v7 =	vld [tilespmem:s28+$0xC950]  }
0xa3: {  	v20 =	vld [tilespmem:s28+$0xC880]  }
0xa4: {  	v22 =	vld [tilespmem:s28+$0xC890]  }
0xa5: {  	v17 =	vld [tilespmem:s28+$0xC800]  }
0xa6: {  	v18 =	vld [tilespmem:s28+$0xC810]  }
0xa7: {  	v19 =	vld [tilespmem:s28+$0xC820]  }
0xa8: {  	v21 =	vld [tilespmem:s28+$0xC830]  }
0xa9: {  	v25 =	vld [tilespmem:s28+$0xC8A0]  }
0xaa: {  	v28 =	vld [tilespmem:s28+$0xC8B0]  }
.Ltmp1:
0xab: {  	v16 =	vld [tilespmem:s28+$0xC8C0];
	(pc) =	sbr.rel @p0 .LBB2_5-.Ltmp1, $4  }
0xac: {  	v23 =	vadd.f32 v17, v23;
	v24 =	vadd.f32 v18, v24;
	v17 =	vld [tilespmem:s28+$0xC8D0]  }
0xad: {  	v26 =	vadd.f32 v19, v26;
	v27 =	vadd.f32 v21, v27;
	v18 =	vld [tilespmem:s28+$0xC840]  }
0xae: {  	v21 =	vadd.f32 v20, v23;
	v22 =	vadd.f32 v22, v24;
	v19 =	vld [tilespmem:s28+$0xC850]  }
0xaf: {  	s29 =	sadd.s32 $0x800, s29;
	v23 =	vadd.f32 v25, v26;
	v20 =	vld [tilespmem:s28+$0xC860];
	v24 =	vadd.f32 v28, v27  }
0xb0: {  	v13 =	vadd.f32 v13, v21;
	v15 =	vadd.f32 v15, v22  }
0xb1: {  	v25 =	vld [tilespmem:s28+$0xC870];
	v12 =	vadd.f32 v12, v23;
	v14 =	vadd.f32 v14, v24  }
0xb2: {  	v21 =	vld [tilespmem:s28+$0xC8E0];
	v2 =	vadd.f32 v2, v13;
	v4 =	vadd.f32 v4, v15  }
0xb3: {  	v22 =	vld [tilespmem:s28+$0xC8F0];
	v8 =	vadd.f32 v18, v8;
	v5 =	vadd.f32 v5, v12  }
0xb4: {  	v13 =	vld [tilespmem:s28+$0xC960];
	v6 =	vadd.f32 v6, v14;
	v11 =	vadd.f32 v19, v11  }
0xb5: {  	v12 =	vld [tilespmem:s28+$0xC970];
	v10 =	vadd.f32 v20, v10;
	v8 =	vadd.f32 v16, v8  }
0xb6: {  	v14 =	vld [tilespmem:s28+$0xC9E0];
	v9 =	vadd.f32 v25, v9;
	v11 =	vadd.f32 v17, v11  }
0xb7: {  	v15 =	vld [tilespmem:s28+$0xC9F0];
	[tilespmem:s25+$0x19080] =	vst v2;
	v10 =	vadd.f32 v21, v10;
	v3 =	vadd.f32 v3, v8  }
0xb8: {  	[tilespmem:s25+$0x19090] =	vst v4;
	v2 =	vadd.f32 v22, v9;
	v7 =	vadd.f32 v7, v11  }
0xb9: {  	[tilespmem:s25+$0x190A0] =	vst v5;
	v4 =	vadd.f32 v13, v10;
	v0 =	vadd.f32 v0, v3  }
0xba: {  	[tilespmem:s25+$0x190B0] =	vst v6;
	v2 =	vadd.f32 v12, v2;
	v1 =	vadd.f32 v1, v7  }
0xbb: {  	v3 =	vadd.f32 v14, v4;
	[tilespmem:s25+$0x190C0] =	vst v0  }
0xbc: {  	v0 =	vadd.f32 v15, v2;
	[tilespmem:s25+$0x190D0] =	vst v1  }
0xbd: {  	[tilespmem:s25+$0x190E0] =	vst v3  }
0xbe: {  	s30 =	sadd.s32 $0x320, s26;
	[tilespmem:s25+$0x190F0] =	vst v0  }
0xbf: {  	[tilespmem:s13], [sflag:$0x2] =	stream.indirect.gather [hbm4b:s2+s8], $0x80, s30, s8, $0xb8;
	[tilespmem:$0x1D000] =	vst v63  }
0xc0: {  	s31 =	sadd.s32 $0x388, s26  }
0xc1: {  	[tilespmem:s15], [sflag:$0x2] =	stream.indirect.gather [hbm4b:s2+s10], $0x80, s31, s10, $0xb8;
	[tilespmem:$0x1D000] =	vst v63  }
0xc2: {  	_ =	swait.ge [sflag:s20], $0x3400  }
0xc3: {  	[sflag:s20] =	ssyncset.done $0x0  }
0xc4: {  	[sflag:s20] =	ssyncadd.s32 $0xFFFFCC00  }
0xc5: {  	_ =	swait.ge [sflag:s20], $0x3000  }
0xc6: {  	[sflag:s20] =	ssyncset.done $0x0  }
0xc7: {  	s25 =	simm.s32 $0x0;
	[sflag:s20] =	ssyncadd.s32 $0xFFFFD000  }
0xc8: {  	v3 =	vld [tilespmem:s25+$0x12D80]  }
0xc9: {  	v4 =	vld [tilespmem:s25+$0x12D90]  }
0xca: {  	v5 =	vld [tilespmem:s25+$0x12DA0]  }
0xcb: {  	v6 =	vld [tilespmem:s25+$0x12DB0]  }
0xcc: {  	v0 =	vld [tilespmem:s25+$0x12DC0]  }
0xcd: {  	v1 =	vld [tilespmem:s25+$0x12DD0]  }
0xce: {  	v13 =	vld [tilespmem:s25+$0x12D00]  }
0xcf: {  	v15 =	vld [tilespmem:s25+$0x12D10]  }
0xd0: {  	v12 =	vld [tilespmem:s25+$0x12D20]  }
0xd1: {  	v14 =	vld [tilespmem:s25+$0x12D30]  }
0xd2: {  	v2 =	vld [tilespmem:s25+$0x12D40]  }
0xd3: {  	v9 =	vld [tilespmem:s25+$0x12C80]  }
0xd4: {  	v10 =	vld [tilespmem:s25+$0x12C90]  }
0xd5: {  	v11 =	vld [tilespmem:s25+$0x12C00]  }
0xd6: {  	v17 =	vld [tilespmem:s25+$0x12C10]  }
0xd7: {  	v18 =	vld [tilespmem:s25+$0x12C20]  }
0xd8: {  	v19 =	vld [tilespmem:s25+$0x12C30]  }
0xd9: {  	v20 =	vld [tilespmem:s25+$0x12CA0]  }
0xda: {  	v24 =	vld [tilespmem:s25+$0x12CB0]  }
0xdb: {  	v8 =	vimm.f32 $0.0e+00;
	v7 =	vld [tilespmem:s25+$0x12D50]  }
0xdc: {  	v16 =	vld [tilespmem:s25+$0x12CC0];
	v11 =	vadd.f32 v11, v8;
	v22 =	vadd.f32 v17, v8  }
0xdd: {  	v17 =	vld [tilespmem:s25+$0x12CD0];
	v23 =	vadd.f32 v18, v8;
	v25 =	vadd.f32 v19, v8  }
0xde: {  	v18 =	vld [tilespmem:s25+$0x12C40];
	v21 =	vadd.f32 v9, v11;
	v22 =	vadd.f32 v10, v22  }
0xdf: {  	v19 =	vld [tilespmem:s25+$0x12C50];
	v23 =	vadd.f32 v20, v23;
	v24 =	vadd.f32 v24, v25  }
0xe0: {  	s26 =	simm.s32 $0x800;
	v20 =	vld [tilespmem:s25+$0x12C60];
	v11 =	vimm.f32 $0.0e+00;
	v10 =	vimm.f32 $0.0e+00;
	v9 =	vimm.f32 $0.0e+00  }
.LBB2_7:
0xe1: {  	p0 =	sne.s32 s26, $0x18800;
	v25 =	vld [tilespmem:s25+$0x12C70];
	v13 =	vadd.f32 v13, v21;
	v15 =	vadd.f32 v15, v22  }
0xe2: {  	v21 =	vld [tilespmem:s25+$0x12CE0];
	v12 =	vadd.f32 v12, v23;
	v14 =	vadd.f32 v14, v24  }
0xe3: {  	v22 =	vld [tilespmem:s25+$0x12CF0];
	v23 =	vadd.f32 v3, v13;
	v24 =	vadd.f32 v4, v15  }
0xe4: {  	v13 =	vld [tilespmem:s25+$0x12D60];
	v26 =	vadd.f32 v5, v12;
	v27 =	vadd.f32 v6, v14  }
0xe5: {  	v3 =	vadd.f32 v18, v8;
	v4 =	vadd.f32 v19, v11;
	v6 =	vld [tilespmem:s25+$0x12D70]  }
0xe6: {  	v5 =	vadd.f32 v20, v10;
	v8 =	vadd.f32 v25, v9;
	v9 =	vld [tilespmem:s25+$0x12DE0]  }
0xe7: {  	v10 =	vadd.f32 v16, v3;
	v11 =	vadd.f32 v17, v4;
	v12 =	vld [tilespmem:s25+$0x12DF0];
	s25 =	sshra.s32 s26, $0x2  }
0xe8: {  	v14 =	vadd.f32 v21, v5;
	v3 =	vld [tilespmem:s25+$0x12D80];
	v8 =	vadd.f32 v22, v8  }
0xe9: {  	v2 =	vadd.f32 v2, v10;
	v7 =	vadd.f32 v7, v11;
	v4 =	vld [tilespmem:s25+$0x12D90]  }
0xea: {  	v10 =	vadd.f32 v13, v14;
	v5 =	vld [tilespmem:s25+$0x12DA0];
	v13 =	vadd.f32 v6, v8  }
0xeb: {  	v8 =	vadd.f32 v0, v2;
	v11 =	vadd.f32 v1, v7;
	v6 =	vld [tilespmem:s25+$0x12DB0]  }
0xec: {  	v10 =	vadd.f32 v9, v10;
	v0 =	vld [tilespmem:s25+$0x12DC0];
	v9 =	vadd.f32 v12, v13  }
0xed: {  	v1 =	vld [tilespmem:s25+$0x12DD0]  }
0xee: {  	v13 =	vld [tilespmem:s25+$0x12D00]  }
0xef: {  	v15 =	vld [tilespmem:s25+$0x12D10]  }
0xf0: {  	v12 =	vld [tilespmem:s25+$0x12D20]  }
0xf1: {  	v14 =	vld [tilespmem:s25+$0x12D30]  }
0xf2: {  	v2 =	vld [tilespmem:s25+$0x12D40]  }
0xf3: {  	v7 =	vld [tilespmem:s25+$0x12D50]  }
0xf4: {  	v20 =	vld [tilespmem:s25+$0x12C80]  }
0xf5: {  	v22 =	vld [tilespmem:s25+$0x12C90]  }
0xf6: {  	v17 =	vld [tilespmem:s25+$0x12C00]  }
0xf7: {  	v18 =	vld [tilespmem:s25+$0x12C10]  }
0xf8: {  	v19 =	vld [tilespmem:s25+$0x12C20]  }
0xf9: {  	v21 =	vld [tilespmem:s25+$0x12C30]  }
0xfa: {  	v25 =	vld [tilespmem:s25+$0x12CA0]  }
0xfb: {  	v28 =	vld [tilespmem:s25+$0x12CB0]  }
.Ltmp2:
0xfc: {  	v16 =	vld [tilespmem:s25+$0x12CC0];
	(pc) =	sbr.rel @p0 .LBB2_7-.Ltmp2, $4  }
0xfd: {  	v23 =	vadd.f32 v17, v23;
	v24 =	vadd.f32 v18, v24;
	v17 =	vld [tilespmem:s25+$0x12CD0]  }
0xfe: {  	v26 =	vadd.f32 v19, v26;
	v27 =	vadd.f32 v21, v27;
	v18 =	vld [tilespmem:s25+$0x12C40]  }
0xff: {  	v21 =	vadd.f32 v20, v23;
	v22 =	vadd.f32 v22, v24;
	v19 =	vld [tilespmem:s25+$0x12C50]  }
0x100: {  	s26 =	sadd.s32 $0x800, s26;
	v23 =	vadd.f32 v25, v26;
	v20 =	vld [tilespmem:s25+$0x12C60];
	v24 =	vadd.f32 v28, v27  }
0x101: {  	v13 =	vadd.f32 v13, v21;
	v15 =	vadd.f32 v15, v22  }
0x102: {  	v25 =	vld [tilespmem:s25+$0x12C70];
	v12 =	vadd.f32 v12, v23;
	v14 =	vadd.f32 v14, v24  }
0x103: {  	v53 =	vld [tilespmem:s25+$0x12CE0];
	v3 =	vadd.f32 v3, v13;
	v4 =	vadd.f32 v4, v15  }
0x104: {  	v54 =	vld [tilespmem:s25+$0x12CF0];
	v8 =	vadd.f32 v18, v8;
	v5 =	vadd.f32 v5, v12  }
0x105: {  	v55 =	vld [tilespmem:s25+$0x12D60];
	v6 =	vadd.f32 v6, v14;
	v11 =	vadd.f32 v19, v11  }
0x106: {  	v56 =	vld [tilespmem:s25+$0x12D70];
	s24 =	sshll.u32 s24, $0x7;
	v10 =	vadd.f32 v20, v10;
	v8 =	vadd.f32 v16, v8  }
0x107: {  	v57 =	vld [tilespmem:s25+$0x12DE0];
	s24 =	sand.u32 $0x3FFFFF80, s24;
	v9 =	vadd.f32 v25, v9;
	v11 =	vadd.f32 v17, v11  }
0x108: {  	v58 =	vld [tilespmem:s25+$0x12DF0];
	[tilespmem:s24+$0x19000] =	vst v3;
	v10 =	vadd.f32 v53, v10;
	v2 =	vadd.f32 v2, v8  }
0x109: {  	s23 =	sadd.s32 $0x1, s23;
	[tilespmem:s24+$0x19010] =	vst v4;
	v59 =	vadd.f32 v54, v9;
	v7 =	vadd.f32 v7, v11  }
0x10a: {  	p0 =	sne.s32 s23, $0x2A;
	[tilespmem:s24+$0x19020] =	vst v5;
	v60 =	vadd.f32 v55, v10;
	v0 =	vadd.f32 v0, v2  }
.Ltmp3:
0x10b: {  	[tilespmem:s24+$0x19030] =	vst v6;
	v61 =	vadd.f32 v56, v59;
	v1 =	vadd.f32 v1, v7;
	(pc) =	sbr.rel @p0 .LBB2_2-.Ltmp3, $4  }
0x10c: {  	v62 =	vadd.f32 v57, v60;
	[tilespmem:s24+$0x19040] =	vst v0  }
0x10d: {  	v63 =	vadd.f32 v58, v61;
	[tilespmem:s24+$0x19050] =	vst v1  }
0x10e: {  	[tilespmem:s24+$0x19060] =	vst v62  }
0x10f: {  	[tilespmem:s24+$0x19070] =	vst v63  }
0x110: {  	_ =	swait.ge [sflag:s18], $0x3400  }
0x111: {  	[sflag:s18] =	ssyncset.done $0x0  }
0x112: {  	[sflag:s18] =	ssyncadd.s32 $0xFFFFCC00  }
0x113: {  	_ =	swait.ge [sflag:s18], $0x3000  }
0x114: {  	[sflag:s18] =	ssyncset.done $0x0  }
0x115: {  	s23 =	simm.s32 $0x0;
	[sflag:s18] =	ssyncadd.s32 $0xFFFFD000  }
0x116: {  	v2 =	vld [tilespmem:s23+$0x6580]  }
0x117: {  	v4 =	vld [tilespmem:s23+$0x6590]  }
0x118: {  	v5 =	vld [tilespmem:s23+$0x65A0]  }
0x119: {  	v6 =	vld [tilespmem:s23+$0x65B0]  }
0x11a: {  	v0 =	vld [tilespmem:s23+$0x65C0]  }
0x11b: {  	v1 =	vld [tilespmem:s23+$0x65D0]  }
0x11c: {  	v13 =	vld [tilespmem:s23+$0x6500]  }
0x11d: {  	v15 =	vld [tilespmem:s23+$0x6510]  }
0x11e: {  	v12 =	vld [tilespmem:s23+$0x6520]  }
0x11f: {  	v14 =	vld [tilespmem:s23+$0x6530]  }
0x120: {  	v3 =	vld [tilespmem:s23+$0x6540]  }
0x121: {  	v9 =	vld [tilespmem:s23+$0x6480]  }
0x122: {  	v10 =	vld [tilespmem:s23+$0x6490]  }
0x123: {  	v11 =	vld [tilespmem:s23+$0x6400]  }
0x124: {  	v17 =	vld [tilespmem:s23+$0x6410]  }
0x125: {  	v18 =	vld [tilespmem:s23+$0x6420]  }
0x126: {  	v19 =	vld [tilespmem:s23+$0x6430]  }
0x127: {  	v20 =	vld [tilespmem:s23+$0x64A0]  }
0x128: {  	v24 =	vld [tilespmem:s23+$0x64B0]  }
0x129: {  	v8 =	vimm.f32 $0.0e+00;
	v7 =	vld [tilespmem:s23+$0x6550]  }
0x12a: {  	v16 =	vld [tilespmem:s23+$0x64C0];
	v11 =	vadd.f32 v11, v8;
	v22 =	vadd.f32 v17, v8  }
0x12b: {  	v17 =	vld [tilespmem:s23+$0x64D0];
	v23 =	vadd.f32 v18, v8;
	v25 =	vadd.f32 v19, v8  }
0x12c: {  	v18 =	vld [tilespmem:s23+$0x6440];
	v21 =	vadd.f32 v9, v11;
	v22 =	vadd.f32 v10, v22  }
0x12d: {  	v19 =	vld [tilespmem:s23+$0x6450];
	v23 =	vadd.f32 v20, v23;
	v24 =	vadd.f32 v24, v25  }
0x12e: {  	s24 =	simm.s32 $0x800;
	v20 =	vld [tilespmem:s23+$0x6460];
	v11 =	vimm.f32 $0.0e+00;
	v10 =	vimm.f32 $0.0e+00;
	v9 =	vimm.f32 $0.0e+00  }
.LBB2_10:
0x12f: {  	p0 =	sne.s32 s24, $0x18800;
	v25 =	vld [tilespmem:s23+$0x6470];
	v13 =	vadd.f32 v13, v21;
	v15 =	vadd.f32 v15, v22  }
0x130: {  	v21 =	vld [tilespmem:s23+$0x64E0];
	v12 =	vadd.f32 v12, v23;
	v14 =	vadd.f32 v14, v24  }
0x131: {  	v22 =	vld [tilespmem:s23+$0x64F0];
	v23 =	vadd.f32 v2, v13;
	v24 =	vadd.f32 v4, v15  }
0x132: {  	v13 =	vld [tilespmem:s23+$0x6560];
	v26 =	vadd.f32 v5, v12;
	v27 =	vadd.f32 v6, v14  }
0x133: {  	v2 =	vadd.f32 v18, v8;
	v4 =	vadd.f32 v19, v11;
	v6 =	vld [tilespmem:s23+$0x6570]  }
0x134: {  	v5 =	vadd.f32 v20, v10;
	v8 =	vadd.f32 v25, v9;
	v9 =	vld [tilespmem:s23+$0x65E0]  }
0x135: {  	v10 =	vadd.f32 v16, v2;
	v11 =	vadd.f32 v17, v4;
	v12 =	vld [tilespmem:s23+$0x65F0];
	s23 =	sshra.s32 s24, $0x2  }
0x136: {  	v14 =	vadd.f32 v21, v5;
	v2 =	vld [tilespmem:s23+$0x6580];
	v8 =	vadd.f32 v22, v8  }
0x137: {  	v3 =	vadd.f32 v3, v10;
	v7 =	vadd.f32 v7, v11;
	v4 =	vld [tilespmem:s23+$0x6590]  }
0x138: {  	v10 =	vadd.f32 v13, v14;
	v5 =	vld [tilespmem:s23+$0x65A0];
	v13 =	vadd.f32 v6, v8  }
0x139: {  	v8 =	vadd.f32 v0, v3;
	v11 =	vadd.f32 v1, v7;
	v6 =	vld [tilespmem:s23+$0x65B0]  }
0x13a: {  	v10 =	vadd.f32 v9, v10;
	v0 =	vld [tilespmem:s23+$0x65C0];
	v9 =	vadd.f32 v12, v13  }
0x13b: {  	v1 =	vld [tilespmem:s23+$0x65D0]  }
0x13c: {  	v13 =	vld [tilespmem:s23+$0x6500]  }
0x13d: {  	v15 =	vld [tilespmem:s23+$0x6510]  }
0x13e: {  	v12 =	vld [tilespmem:s23+$0x6520]  }
0x13f: {  	v14 =	vld [tilespmem:s23+$0x6530]  }
0x140: {  	v3 =	vld [tilespmem:s23+$0x6540]  }
0x141: {  	v7 =	vld [tilespmem:s23+$0x6550]  }
0x142: {  	v20 =	vld [tilespmem:s23+$0x6480]  }
0x143: {  	v22 =	vld [tilespmem:s23+$0x6490]  }
0x144: {  	v17 =	vld [tilespmem:s23+$0x6400]  }
0x145: {  	v18 =	vld [tilespmem:s23+$0x6410]  }
0x146: {  	v19 =	vld [tilespmem:s23+$0x6420]  }
0x147: {  	v21 =	vld [tilespmem:s23+$0x6430]  }
0x148: {  	v25 =	vld [tilespmem:s23+$0x64A0]  }
0x149: {  	v28 =	vld [tilespmem:s23+$0x64B0]  }
.Ltmp4:
0x14a: {  	v16 =	vld [tilespmem:s23+$0x64C0];
	(pc) =	sbr.rel @p0 .LBB2_10-.Ltmp4, $4  }
0x14b: {  	v23 =	vadd.f32 v17, v23;
	v24 =	vadd.f32 v18, v24;
	v17 =	vld [tilespmem:s23+$0x64D0]  }
0x14c: {  	v26 =	vadd.f32 v19, v26;
	v27 =	vadd.f32 v21, v27;
	v18 =	vld [tilespmem:s23+$0x6440]  }
0x14d: {  	v21 =	vadd.f32 v20, v23;
	v22 =	vadd.f32 v22, v24;
	v19 =	vld [tilespmem:s23+$0x6450]  }
0x14e: {  	s24 =	sadd.s32 $0x800, s24;
	v23 =	vadd.f32 v25, v26;
	v20 =	vld [tilespmem:s23+$0x6460];
	v24 =	vadd.f32 v28, v27  }
0x14f: {  	v13 =	vadd.f32 v13, v21;
	v15 =	vadd.f32 v15, v22  }
0x150: {  	v25 =	vld [tilespmem:s23+$0x6470];
	v12 =	vadd.f32 v12, v23;
	v14 =	vadd.f32 v14, v24  }
0x151: {  	v21 =	vld [tilespmem:s23+$0x64E0];
	v2 =	vadd.f32 v2, v13;
	v4 =	vadd.f32 v4, v15  }
0x152: {  	v22 =	vld [tilespmem:s23+$0x64F0];
	v8 =	vadd.f32 v18, v8;
	v5 =	vadd.f32 v5, v12  }
0x153: {  	v13 =	vld [tilespmem:s23+$0x6560];
	v6 =	vadd.f32 v6, v14;
	v11 =	vadd.f32 v19, v11  }
0x154: {  	v12 =	vld [tilespmem:s23+$0x6570];
	v10 =	vadd.f32 v20, v10;
	v8 =	vadd.f32 v16, v8  }
0x155: {  	v14 =	vld [tilespmem:s23+$0x65E0];
	v9 =	vadd.f32 v25, v9;
	v11 =	vadd.f32 v17, v11  }
0x156: {  	v15 =	vld [tilespmem:s23+$0x65F0];
	[tilespmem:$0x1CF00] =	vst v2;
	v10 =	vadd.f32 v21, v10;
	v3 =	vadd.f32 v3, v8  }
0x157: {  	[tilespmem:$0x1CF10] =	vst v4;
	v2 =	vadd.f32 v22, v9;
	v7 =	vadd.f32 v7, v11  }
0x158: {  	[tilespmem:$0x1CF20] =	vst v5;
	v4 =	vadd.f32 v13, v10;
	v0 =	vadd.f32 v0, v3  }
0x159: {  	[tilespmem:$0x1CF30] =	vst v6;
	v2 =	vadd.f32 v12, v2;
	v1 =	vadd.f32 v1, v7  }
0x15a: {  	v3 =	vadd.f32 v14, v4;
	[tilespmem:$0x1CF40] =	vst v0  }
0x15b: {  	v0 =	vadd.f32 v15, v2;
	[tilespmem:$0x1CF50] =	vst v1  }
0x15c: {  	[tilespmem:$0x1CF60] =	vst v3  }
0x15d: {  	[tilespmem:$0x1CF70] =	vst v0  }
0x15e: {  	_ =	swait.ge [sflag:s19], $0x3400  }
0x15f: {  	[sflag:s19] =	ssyncset.done $0x0  }
0x160: {  	[sflag:s19] =	ssyncadd.s32 $0xFFFFCC00  }
0x161: {  	_ =	swait.ge [sflag:s19], $0x3000  }
0x162: {  	[sflag:s19] =	ssyncset.done $0x0  }
0x163: {  	s23 =	simm.s32 $0x0;
	[sflag:s19] =	ssyncadd.s32 $0xFFFFD000  }
0x164: {  	v2 =	vld [tilespmem:s23+$0xC980]  }
0x165: {  	v4 =	vld [tilespmem:s23+$0xC990]  }
0x166: {  	v5 =	vld [tilespmem:s23+$0xC9A0]  }
0x167: {  	v6 =	vld [tilespmem:s23+$0xC9B0]  }
0x168: {  	v0 =	vld [tilespmem:s23+$0xC9C0]  }
0x169: {  	v1 =	vld [tilespmem:s23+$0xC9D0]  }
0x16a: {  	v13 =	vld [tilespmem:s23+$0xC900]  }
0x16b: {  	v15 =	vld [tilespmem:s23+$0xC910]  }
0x16c: {  	v12 =	vld [tilespmem:s23+$0xC920]  }
0x16d: {  	v14 =	vld [tilespmem:s23+$0xC930]  }
0x16e: {  	v3 =	vld [tilespmem:s23+$0xC940]  }
0x16f: {  	v9 =	vld [tilespmem:s23+$0xC880]  }
0x170: {  	v10 =	vld [tilespmem:s23+$0xC890]  }
0x171: {  	v11 =	vld [tilespmem:s23+$0xC800]  }
0x172: {  	v17 =	vld [tilespmem:s23+$0xC810]  }
0x173: {  	v18 =	vld [tilespmem:s23+$0xC820]  }
0x174: {  	v19 =	vld [tilespmem:s23+$0xC830]  }
0x175: {  	v20 =	vld [tilespmem:s23+$0xC8A0]  }
0x176: {  	v24 =	vld [tilespmem:s23+$0xC8B0]  }
0x177: {  	v8 =	vimm.f32 $0.0e+00;
	v7 =	vld [tilespmem:s23+$0xC950]  }
0x178: {  	v16 =	vld [tilespmem:s23+$0xC8C0];
	v11 =	vadd.f32 v11, v8;
	v22 =	vadd.f32 v17, v8  }
0x179: {  	v17 =	vld [tilespmem:s23+$0xC8D0];
	v23 =	vadd.f32 v18, v8;
	v25 =	vadd.f32 v19, v8  }
0x17a: {  	v18 =	vld [tilespmem:s23+$0xC840];
	v21 =	vadd.f32 v9, v11;
	v22 =	vadd.f32 v10, v22  }
0x17b: {  	v19 =	vld [tilespmem:s23+$0xC850];
	v23 =	vadd.f32 v20, v23;
	v24 =	vadd.f32 v24, v25  }
0x17c: {  	s24 =	simm.s32 $0x800;
	v20 =	vld [tilespmem:s23+$0xC860];
	v11 =	vimm.f32 $0.0e+00;
	v10 =	vimm.f32 $0.0e+00;
	v9 =	vimm.f32 $0.0e+00  }
.LBB2_12:
0x17d: {  	p0 =	sne.s32 s24, $0x18800;
	v25 =	vld [tilespmem:s23+$0xC870];
	v13 =	vadd.f32 v13, v21;
	v15 =	vadd.f32 v15, v22  }
0x17e: {  	v21 =	vld [tilespmem:s23+$0xC8E0];
	v12 =	vadd.f32 v12, v23;
	v14 =	vadd.f32 v14, v24  }
0x17f: {  	v22 =	vld [tilespmem:s23+$0xC8F0];
	v23 =	vadd.f32 v2, v13;
	v24 =	vadd.f32 v4, v15  }
0x180: {  	v13 =	vld [tilespmem:s23+$0xC960];
	v26 =	vadd.f32 v5, v12;
	v27 =	vadd.f32 v6, v14  }
0x181: {  	v2 =	vadd.f32 v18, v8;
	v4 =	vadd.f32 v19, v11;
	v6 =	vld [tilespmem:s23+$0xC970]  }
0x182: {  	v5 =	vadd.f32 v20, v10;
	v8 =	vadd.f32 v25, v9;
	v9 =	vld [tilespmem:s23+$0xC9E0]  }
0x183: {  	v10 =	vadd.f32 v16, v2;
	v11 =	vadd.f32 v17, v4;
	v12 =	vld [tilespmem:s23+$0xC9F0];
	s23 =	sshra.s32 s24, $0x2  }
0x184: {  	v14 =	vadd.f32 v21, v5;
	v2 =	vld [tilespmem:s23+$0xC980];
	v8 =	vadd.f32 v22, v8  }
0x185: {  	v3 =	vadd.f32 v3, v10;
	v7 =	vadd.f32 v7, v11;
	v4 =	vld [tilespmem:s23+$0xC990]  }
0x186: {  	v10 =	vadd.f32 v13, v14;
	v5 =	vld [tilespmem:s23+$0xC9A0];
	v13 =	vadd.f32 v6, v8  }
0x187: {  	v8 =	vadd.f32 v0, v3;
	v11 =	vadd.f32 v1, v7;
	v6 =	vld [tilespmem:s23+$0xC9B0]  }
0x188: {  	v10 =	vadd.f32 v9, v10;
	v0 =	vld [tilespmem:s23+$0xC9C0];
	v9 =	vadd.f32 v12, v13  }
0x189: {  	v1 =	vld [tilespmem:s23+$0xC9D0]  }
0x18a: {  	v13 =	vld [tilespmem:s23+$0xC900]  }
0x18b: {  	v15 =	vld [tilespmem:s23+$0xC910]  }
0x18c: {  	v12 =	vld [tilespmem:s23+$0xC920]  }
0x18d: {  	v14 =	vld [tilespmem:s23+$0xC930]  }
0x18e: {  	v3 =	vld [tilespmem:s23+$0xC940]  }
0x18f: {  	v7 =	vld [tilespmem:s23+$0xC950]  }
0x190: {  	v20 =	vld [tilespmem:s23+$0xC880]  }
0x191: {  	v22 =	vld [tilespmem:s23+$0xC890]  }
0x192: {  	v17 =	vld [tilespmem:s23+$0xC800]  }
0x193: {  	v18 =	vld [tilespmem:s23+$0xC810]  }
0x194: {  	v19 =	vld [tilespmem:s23+$0xC820]  }
0x195: {  	v21 =	vld [tilespmem:s23+$0xC830]  }
0x196: {  	v25 =	vld [tilespmem:s23+$0xC8A0]  }
0x197: {  	v28 =	vld [tilespmem:s23+$0xC8B0]  }
.Ltmp5:
0x198: {  	v16 =	vld [tilespmem:s23+$0xC8C0];
	(pc) =	sbr.rel @p0 .LBB2_12-.Ltmp5, $4  }
0x199: {  	v23 =	vadd.f32 v17, v23;
	v24 =	vadd.f32 v18, v24;
	v17 =	vld [tilespmem:s23+$0xC8D0]  }
0x19a: {  	v26 =	vadd.f32 v19, v26;
	v27 =	vadd.f32 v21, v27;
	v18 =	vld [tilespmem:s23+$0xC840]  }
0x19b: {  	v21 =	vadd.f32 v20, v23;
	v22 =	vadd.f32 v22, v24;
	v19 =	vld [tilespmem:s23+$0xC850]  }
0x19c: {  	s24 =	sadd.s32 $0x800, s24;
	v23 =	vadd.f32 v25, v26;
	v20 =	vld [tilespmem:s23+$0xC860];
	v24 =	vadd.f32 v28, v27  }
0x19d: {  	v13 =	vadd.f32 v13, v21;
	v15 =	vadd.f32 v15, v22  }
0x19e: {  	v25 =	vld [tilespmem:s23+$0xC870];
	v12 =	vadd.f32 v12, v23;
	v14 =	vadd.f32 v14, v24  }
0x19f: {  	v54 =	vld [tilespmem:s23+$0xC8E0];
	v2 =	vadd.f32 v2, v13;
	v4 =	vadd.f32 v4, v15  }
0x1a0: {  	v55 =	vld [tilespmem:s23+$0xC8F0];
	v8 =	vadd.f32 v18, v8;
	v5 =	vadd.f32 v5, v12  }
0x1a1: {  	v56 =	vld [tilespmem:s23+$0xC960];
	v6 =	vadd.f32 v6, v14;
	v11 =	vadd.f32 v19, v11  }
0x1a2: {  	v57 =	vld [tilespmem:s23+$0xC970];
	v10 =	vadd.f32 v20, v10;
	v8 =	vadd.f32 v16, v8  }
0x1a3: {  	v58 =	vld [tilespmem:s23+$0xC9E0];
	v9 =	vadd.f32 v25, v9;
	v11 =	vadd.f32 v17, v11  }
0x1a4: {  	v59 =	vld [tilespmem:s23+$0xC9F0];
	[tilespmem:$0x1CF80] =	vst v2;
	v10 =	vadd.f32 v54, v10;
	v3 =	vadd.f32 v3, v8  }
0x1a5: {  	[tilespmem:$0x1CF90] =	vst v4;
	v60 =	vadd.f32 v55, v9;
	v7 =	vadd.f32 v7, v11  }
0x1a6: {  	[tilespmem:$0x1CFA0] =	vst v5;
	v61 =	vadd.f32 v56, v10;
	v0 =	vadd.f32 v0, v3  }
0x1a7: {  	[tilespmem:$0x1CFB0] =	vst v6;
	v2 =	vadd.f32 v57, v60;
	v1 =	vadd.f32 v1, v7  }
0x1a8: {  	v62 =	vadd.f32 v58, v61;
	[tilespmem:$0x1CFC0] =	vst v0  }
0x1a9: {  	s22 =	sadd.s32 $0x1, s22;
	v63 =	vadd.f32 v59, v2;
	[tilespmem:$0x1CFD0] =	vst v1  }
0x1aa: {  	p0 =	sne.s32 s22, s6;
	[tilespmem:$0x1CFE0] =	vst v62  }
.Ltmp6:
0x1ab: {  	[tilespmem:$0x1CFF0] =	vst v63;
	(pc) =	sbr.rel @p0 .LBB2_1-.Ltmp6, $4  }
0x1ac: {  	[hbm4b:s5+s3] =	stream.linear.scatter [tilespmem:s21], [sflag:$0x4], $0x4000, $0x38;
	[tilespmem:$0x1D000] =	vst v63  }
0x1ad: {  	_ =	swait.ge [sflag:s7], $0x4000  }
0x1ae: {  	[sflag:s7] =	ssyncset.done $0x0  }
0x1af: {  	[sflag:s7] =	ssyncadd.s32 $0xFFFFC000  }
0x1b0: {  	_ =	sfence.sel $0x180000  }
0x1b1: {  	[bflag:$0x0] =	sbarrier.arrive $0xFFFF  }
0x1b2: {  	p0 =	sne.s32 s0, $0x0;
	_ =	strace $0x90000047  }
0x1b3: {  	s0 =	sadd.s32 @!p0 $0x100000, s1;
	[bflag:$0x2] =	sbarrier.arrive $0xFFFF  }
0x1b4: {  	[sflag:s0] =	ssyncadd.tile.s32 @!p0 $0x1;
	_ =	shalt  }
.Lfunc_end2:
_tile_overlayer_lowered:
.L_overlay_start_2:
0x1b5: {  	(tag) =	ssettag $0x2  }
0x1b6: {  	s0 =	rddreg [dreg:$0x0];
	s2 =	stileid.u32  }
0x1b7: {  	s1 =	rddreg [dreg:$0x1];
	p0 =	sne.s32 s2, $0x0  }
0x1b8: {  	s3 =	rddreg [dreg:$0x2];
	[bflag:$0x3] =	sbarrier.arrive $0xFFFF;
	s2 =	simm.s32 @!p0 $0x1C04  }
0x1b9: {  	[timem:s3], [sflag:s2] =	dma.local @!p0 [hbm:s0], s1  }
0x1ba: {  	s0 =	simm.s32 @!p0 $0x4  }
0x1bb: {  	_ =	swait.ge @!p0 [sflag:s0], s1  }
0x1bc: {  	s1 =	ssub.s32 @!p0 $0x0, s1;
	[sflag:s0] =	ssyncset.done @!p0 $0x0  }
0x1bd: {  	[sflag:s0] =	ssyncadd.s32 @!p0 s1  }
0x1be: {  	[bflag:$0x3] =	sbarrier.arrive $0xFFFF  }
0x1bf: {  	_ =	shalt  }

</sc_bundles>
